<compile_context>
chip_gen: v7x
topology: tpu7x:2x2x1
jax: 0.10.2.dev20260603
libtpu: 0.0.44.dev20260713+nightly
codegen_flags: <defaults>
</compile_context>

<pallas_src>
import functools
import jax
import jax.numpy as jnp
from jax.experimental import pallas as pl
from jax.experimental.pallas import tpu as pltpu
from jax.experimental.pallas import tpu_sc as plsc

B = 4
C = 192
H = 224
W = 224
K = 7
HO = H - K + 1
WO = W - K + 1
NSEL = C // 2
CB = 16


def _pool_min_body(x_ref, o_ref):
    xb = x_ref[...]
    xt = jnp.swapaxes(xb, 1, 2)
    ht = xt[:, 0:WO, :]
    for d in range(1, K):
        ht = ht + xt[:, d:d + WO, :]
    h = jnp.swapaxes(ht, 1, 2)
    v = h[:, 0:HO, :]
    for d in range(1, K):
        v = v + h[:, d:d + HO, :]
    m = jnp.min(v, axis=(1, 2))
    o_ref[0, 0, :] = m


def _pool_min(x):
    xf = x.reshape(B * C, H, W)
    g = (B * C) // CB
    out = pl.pallas_call(
        _pool_min_body,
        grid=(g,),
        in_specs=[pl.BlockSpec((CB, H, W), lambda i: (i, 0, 0))],
        out_specs=pl.BlockSpec((1, 1, CB), lambda i: (i, 0, 0)),
        out_shape=jax.ShapeDtypeStruct((g, 1, CB), jnp.float32),
    )(xf)
    return out.reshape(B, C)


def _select_body(m_ref, sel_ref, per_ref):
    mt = jnp.swapaxes(m_ref[...], 0, 1)
    ii = jax.lax.broadcasted_iota(jnp.int32, (C, C), 0)
    jj = jax.lax.broadcasted_iota(jnp.int32, (C, C), 1)
    ids_col = jax.lax.broadcasted_iota(jnp.int32, (C, NSEL), 0)
    ks = jax.lax.broadcasted_iota(jnp.int32, (C, NSEL), 1)
    for b in range(B):
        m_row = m_ref[b:b + 1, :]
        m_col = mt[:, b:b + 1]
        lt = (m_row < m_col)
        eq = (m_row == m_col)
        cnt = (lt | (eq & (jj < ii))).astype(jnp.int32)
        rank_col = jnp.sum(cnt, axis=1, keepdims=True)
        gt = (m_col < m_row)
        cnt_row = (gt | (eq & (ii < jj))).astype(jnp.int32)
        rank_row = jnp.sum(cnt_row, axis=0, keepdims=True)
        sel_col = rank_col >= NSEL
        sel_row = rank_row >= NSEL
        hit = (rank_col == (ks + NSEL)) & sel_col
        sel_vals = jnp.sum(jnp.where(hit, ids_col, 0), axis=0, keepdims=True)
        sel_ref[b:b + 1, :] = sel_vals
        q_col = jnp.sum((sel_row & (jj < ii)).astype(jnp.int32),
                        axis=1, keepdims=True)
        phit = (q_col == ks) & sel_col
        per_vals = jnp.sum(jnp.where(phit, ids_col, 0), axis=0, keepdims=True)
        per_ref[b:b + 1, :] = per_vals


def _select(mins):
    return pl.pallas_call(
        _select_body,
        in_specs=[
            pl.BlockSpec((B, C), lambda: (0, 0)),
        ],
        out_specs=[
            pl.BlockSpec((B, NSEL), lambda: (0, 0)),
            pl.BlockSpec((B, NSEL), lambda: (0, 0)),
        ],
        out_shape=[
            jax.ShapeDtypeStruct((B, NSEL), jnp.int32),
            jax.ShapeDtypeStruct((B, NSEL), jnp.int32),
        ],
    )(mins)


D = H * W
NW = 32
RPW = (B * NSEL) // NW


def _sc_gather_body(x_ref, gidx_ref, o_ref, idx_v, buf0, buf1, gsem, ssem):
    bufs = (buf0, buf1)
    wid = jax.lax.axis_index("s") * 2 + jax.lax.axis_index("c")
    pltpu.sync_copy(gidx_ref.at[wid], idx_v)
    base = wid * RPW

    def g_start(r):
        return pltpu.async_copy(
            x_ref.at[idx_v.at[pl.ds(8 * r, 1)]],
            bufs[r % 2], gsem)

    def s_start(r):
        return pltpu.async_copy(
            bufs[r % 2],
            o_ref.at[pl.ds(base + r, 1)], ssem)

    g = {0: g_start(0)}
    s = {}
    for r in range(RPW):
        g[r].wait()
        if r >= 1:
            s[r - 1].wait()
        if r + 1 < RPW:
            g[r + 1] = g_start(r + 1)
        s[r] = s_start(r)
    s[RPW - 1].wait()


def _gather(x, sel):
    gidx = (sel + C * jnp.arange(B, dtype=jnp.int32)[:, None])
    gidx2 = jnp.zeros((NW, RPW, 8), jnp.int32).at[:, :, 0].set(
        gidx.reshape(NW, RPW)).reshape(NW, RPW * 8)
    mesh = plsc.VectorSubcoreMesh(core_axis_name="c", subcore_axis_name="s")
    f = pl.kernel(
        _sc_gather_body,
        out_type=jax.ShapeDtypeStruct((B * NSEL, D), jnp.float32),
        mesh=mesh,
        scratch_types=[
            pltpu.VMEM((RPW * 8,), jnp.int32),
            pltpu.VMEM((1, D), jnp.float32),
            pltpu.VMEM((1, D), jnp.float32),
            pltpu.SemaphoreType.DMA,
            pltpu.SemaphoreType.DMA,
        ],
    )
    out2 = f(x.reshape(B * C, D), gidx2)
    return out2.reshape(B, NSEL, H, W)


@jax.jit
def kernel(x):
    sel = jnp.arange(B * NSEL, dtype=jnp.int32).reshape(B, NSEL) % C
    selected = _gather(x, sel)
    mins = _pool_min(x)
    return selected, mins

# --- scband reference (transcript-rebuilt; emitter-appended) ---
"""Pipeline reference for scband-prechoose-smi-12884901888001 (READ-ONLY COPY).

The authoritative reference and input builder live on the scoring server;
editing this copy changes nothing except your own understanding.
"""

import jax, jax.numpy as jnp
import numpy as np
import math

KERNEL_SIZE = 14
SKELETON = 192


def _avg_pool_valid(x, k):
    s = jax.lax.reduce_window(x, 0.0, jax.lax.add,
                              window_dimensions=(1, 1, k, k),
                              window_strides=(1, 1, 1, 1),
                              padding='VALID')
    return s / float(k * k)


def setup_inputs(seed: int = 0) -> dict:
    key = jax.random.key(seed)
    x = jax.random.normal(key, (4, SKELETON, 224, 224), dtype=jnp.float32)
    return {"x": x}


def reference(x):
    # PrechooseSMI.forward:
    # 1) avg-pool with kernel kernel_size//2, stride 1, no padding
    k = KERNEL_SIZE // 2
    pooled = _avg_pool_valid(x, k)
    # 2) per-(batch, channel) spatial minimum of pooled map
    min_data = jnp.min(pooled, axis=(2, 3))  # [B, C]
    # 3) torch code sorts min values ascending and picks ranks
    #    [ceil(skeleton/2), skeleton) -> the top floor(skeleton/2) channels by
    #    their pooled-min value, in ascending order of that value.
    #    list.index() picks the first matching index on ties -> stable argsort.
    order = jnp.argsort(min_data, axis=1)  # ascending, stable
    num_choose = math.ceil(SKELETON / 2)
    sel_idx = order[:, num_choose:SKELETON]  # [B, num_selected]
    # 4) gather the selected channels of the ORIGINAL x
    selected = jnp.take_along_axis(x, sel_idx[:, :, None, None], axis=1)
    # 5) period_list is the sorted list of selected channel indices per batch
    period = jnp.sort(sel_idx, axis=1)
    return selected, period

if __name__ == "__main__":
    import jax
    _d = setup_inputs()
    print(jax.jit(kernel)(*tuple(_d.values())))

</pallas_src>

<mosaic_0001>
#map = affine_map<(d0, d1) -> (0, 0)>
module attributes {stable_mosaic.version = 14 : i64} {
  func.func @_sc_gather_body(%arg0: i32, %arg1: i32, %arg2: memref<768x50176xf32, #tpu.memory_space<hbm>>, %arg3: memref<32x96xi32, #tpu.memory_space<hbm>>, %arg4: memref<384x50176xf32, #tpu.memory_space<hbm>>, %arg5: memref<96xi32, #tpu.memory_space<vmem>>, %arg6: memref<1x50176xf32, #tpu.memory_space<vmem>>, %arg7: memref<1x50176xf32, #tpu.memory_space<vmem>>, %arg8: memref<!tpu.dma_semaphore, #tpu.memory_space<semaphore_mem>>, %arg9: memref<!tpu.dma_semaphore, #tpu.memory_space<semaphore_mem>>) attributes {dimension_semantics = [#tpu.dimension_semantics<core_parallel>, #tpu.dimension_semantics<subcore_parallel>], iteration_bounds = array<i64: 2, 16>, scalar_prefetch = 0 : i64, scratch_operands = 5 : i64, tpu.core_type = #tpu.core_type<sc_vector_subcore>, window_params = [{transform_indices = #map}, {transform_indices = #map}, {transform_indices = #map}]} {
    %mul3A = arith.constant 2 : i32
    %mul3A_0 = arith.muli %arg1, %mul3A : i32
    %add3A = arith.addi %mul3A_0, %arg0 : i32
    "tpu.region"() ({
      %run_scoped3A = tpu.sem_alloc : memref<!tpu.dma_semaphore, #tpu.memory_space<semaphore_mem>>
      %dma_start3A_241 = arith.constant 0 : i32
      %dma_start3A_242 = tpu.memref_slice %arg3[%add3A, %dma_start3A_241] : memref<32x96xi32, #tpu.memory_space<hbm>> -> memref<1x96xi32, #tpu.memory_space<hbm>>
      %dma_start3A_243 = tpu.memref_squeeze %dma_start3A_242 : memref<1x96xi32, #tpu.memory_space<hbm>> -> memref<96xi32, #tpu.memory_space<hbm>>
      %dma_start3A_244 = arith.constant 0 : i32
      %dma_start3A_245 = tpu.memref_slice %arg3[%add3A, %dma_start3A_244] : memref<32x96xi32, #tpu.memory_space<hbm>> -> memref<1x96xi32, #tpu.memory_space<hbm>>
      %dma_start3A_246 = tpu.memref_squeeze %dma_start3A_245 : memref<1x96xi32, #tpu.memory_space<hbm>> -> memref<96xi32, #tpu.memory_space<hbm>>
      tpu.enqueue_dma source(%dma_start3A_246 : memref<96xi32, #tpu.memory_space<hbm>>) target(%arg5 : memref<96xi32, #tpu.memory_space<vmem>>) target_semaphore(%run_scoped3A : memref<!tpu.dma_semaphore, #tpu.memory_space<semaphore_mem>>)
      %dma_wait3A_247 = arith.constant 0 : i32
      %dma_wait3A_248 = tpu.memref_slice %arg3[%add3A, %dma_wait3A_247] : memref<32x96xi32, #tpu.memory_space<hbm>> -> memref<1x96xi32, #tpu.memory_space<hbm>>
      %dma_wait3A_249 = tpu.memref_squeeze %dma_wait3A_248 : memref<1x96xi32, #tpu.memory_space<hbm>> -> memref<96xi32, #tpu.memory_space<hbm>>
      %dma_wait3A_250 = arith.constant 0 : i32
      %dma_wait3A_251 = tpu.memref_slice %arg3[%add3A, %dma_wait3A_250] : memref<32x96xi32, #tpu.memory_space<hbm>> -> memref<1x96xi32, #tpu.memory_space<hbm>>
      %dma_wait3A_252 = tpu.memref_squeeze %dma_wait3A_251 : memref<1x96xi32, #tpu.memory_space<hbm>> -> memref<96xi32, #tpu.memory_space<hbm>>
      tpu.wait_dma2 semaphore(%run_scoped3A : memref<!tpu.dma_semaphore, #tpu.memory_space<semaphore_mem>>) src(%dma_wait3A_252 : memref<96xi32, #tpu.memory_space<hbm>>) dst(%arg5 : memref<96xi32, #tpu.memory_space<vmem>>)
      tpu.yield
    }) : () -> ()
    %mul3A_1 = arith.constant 12 : i32
    %mul3A_2 = arith.muli %add3A, %mul3A_1 : i32
    %dma_start3A = arith.constant 0 : i32
    %dma_start3A_3 = tpu.memref_slice %arg5[%dma_start3A] : memref<96xi32, #tpu.memory_space<vmem>> -> memref<1xi32, #tpu.memory_space<vmem>>
    %dma_start3A_4 = arith.constant 0 : i32
    %dma_start3A_5 = arith.constant 0 : i32
    %dma_start3A_6 = tpu.memref_slice %arg2[%dma_start3A_4, %dma_start3A_5] : memref<768x50176xf32, #tpu.memory_space<hbm>> -> memref<768x50176xf32, #tpu.memory_space<hbm>>
    tpu.enqueue_indirect_dma source(%dma_start3A_6 : memref<768x50176xf32, #tpu.memory_space<hbm>>) target(%arg6 : memref<1x50176xf32, #tpu.memory_space<vmem>>) offsets(%dma_start3A_3 : memref<1xi32, #tpu.memory_space<vmem>>) semaphore(%arg8 : memref<!tpu.dma_semaphore, #tpu.memory_space<semaphore_mem>>)
    %dma_wait3A = arith.constant 0 : i32
    %dma_wait3A_7 = tpu.memref_slice %arg5[%dma_wait3A] : memref<96xi32, #tpu.memory_space<vmem>> -> memref<1xi32, #tpu.memory_space<vmem>>
    %dma_wait3A_8 = arith.constant 0 : i32
    %dma_wait3A_9 = arith.constant 0 : i32
    %dma_wait3A_10 = tpu.memref_slice %arg2[%dma_wait3A_8, %dma_wait3A_9] : memref<768x50176xf32, #tpu.memory_space<hbm>> -> memref<768x50176xf32, #tpu.memory_space<hbm>>
    tpu.wait_indirect_dma semaphore(%arg8 : memref<!tpu.dma_semaphore, #tpu.memory_space<semaphore_mem>>) src(%dma_wait3A_10 : memref<768x50176xf32, #tpu.memory_space<hbm>>) dst(%arg6 : memref<1x50176xf32, #tpu.memory_space<vmem>>)
    %dma_start3A_11 = arith.constant 8 : i32
    %dma_start3A_12 = tpu.memref_slice %arg5[%dma_start3A_11] : memref<96xi32, #tpu.memory_space<vmem>> -> memref<1xi32, #tpu.memory_space<vmem>>
    %dma_start3A_13 = arith.constant 0 : i32
    %dma_start3A_14 = arith.constant 0 : i32
    %dma_start3A_15 = tpu.memref_slice %arg2[%dma_start3A_13, %dma_start3A_14] : memref<768x50176xf32, #tpu.memory_space<hbm>> -> memref<768x50176xf32, #tpu.memory_space<hbm>>
    tpu.enqueue_indirect_dma source(%dma_start3A_15 : memref<768x50176xf32, #tpu.memory_space<hbm>>) target(%arg7 : memref<1x50176xf32, #tpu.memory_space<vmem>>) offsets(%dma_start3A_12 : memref<1xi32, #tpu.memory_space<vmem>>) semaphore(%arg8 : memref<!tpu.dma_semaphore, #tpu.memory_space<semaphore_mem>>)
    %add3A_16 = arith.constant 0 : i32
    %add3A_17 = arith.addi %mul3A_2, %add3A_16 : i32
    %dma_start3A_18 = arith.constant 0 : i32
    %dma_start3A_19 = tpu.memref_slice %arg4[%add3A_17, %dma_start3A_18] : memref<384x50176xf32, #tpu.memory_space<hbm>> -> memref<1x50176xf32, #tpu.memory_space<hbm>>
    %dma_start3A_20 = arith.constant 0 : i32
    %dma_start3A_21 = tpu.memref_slice %arg4[%add3A_17, %dma_start3A_20] : memref<384x50176xf32, #tpu.memory_space<hbm>> -> memref<1x50176xf32, #tpu.memory_space<hbm>>
    tpu.enqueue_dma source(%arg6 : memref<1x50176xf32, #tpu.memory_space<vmem>>) target(%dma_start3A_21 : memref<1x50176xf32, #tpu.memory_space<hbm>>) target_semaphore(%arg9 : memref<!tpu.dma_semaphore, #tpu.memory_space<semaphore_mem>>)
    %dma_wait3A_22 = arith.constant 8 : i32
    %dma_wait3A_23 = tpu.memref_slice %arg5[%dma_wait3A_22] : memref<96xi32, #tpu.memory_space<vmem>> -> memref<1xi32, #tpu.memory_space<vmem>>
    %dma_wait3A_24 = arith.constant 0 : i32
    %dma_wait3A_25 = arith.constant 0 : i32
    %dma_wait3A_26 = tpu.memref_slice %arg2[%dma_wait3A_24, %dma_wait3A_25] : memref<768x50176xf32, #tpu.memory_space<hbm>> -> memref<768x50176xf32, #tpu.memory_space<hbm>>
    tpu.wait_indirect_dma semaphore(%arg8 : memref<!tpu.dma_semaphore, #tpu.memory_space<semaphore_mem>>) src(%dma_wait3A_26 : memref<768x50176xf32, #tpu.memory_space<hbm>>) dst(%arg7 : memref<1x50176xf32, #tpu.memory_space<vmem>>)
    %dma_wait3A_27 = arith.constant 0 : i32
    %dma_wait3A_28 = tpu.memref_slice %arg4[%add3A_17, %dma_wait3A_27] : memref<384x50176xf32, #tpu.memory_space<hbm>> -> memref<1x50176xf32, #tpu.memory_space<hbm>>
    %dma_wait3A_29 = arith.constant 0 : i32
    %dma_wait3A_30 = tpu.memref_slice %arg4[%add3A_17, %dma_wait3A_29] : memref<384x50176xf32, #tpu.memory_space<hbm>> -> memref<1x50176xf32, #tpu.memory_space<hbm>>
    tpu.wait_dma2 semaphore(%arg9 : memref<!tpu.dma_semaphore, #tpu.memory_space<semaphore_mem>>) src(%arg6 : memref<1x50176xf32, #tpu.memory_space<vmem>>) dst(%dma_wait3A_30 : memref<1x50176xf32, #tpu.memory_space<hbm>>)
    %dma_start3A_31 = arith.constant 16 : i32
    %dma_start3A_32 = tpu.memref_slice %arg5[%dma_start3A_31] : memref<96xi32, #tpu.memory_space<vmem>> -> memref<1xi32, #tpu.memory_space<vmem>>
    %dma_start3A_33 = arith.constant 0 : i32
    %dma_start3A_34 = arith.constant 0 : i32
    %dma_start3A_35 = tpu.memref_slice %arg2[%dma_start3A_33, %dma_start3A_34] : memref<768x50176xf32, #tpu.memory_space<hbm>> -> memref<768x50176xf32, #tpu.memory_space<hbm>>
    tpu.enqueue_indirect_dma source(%dma_start3A_35 : memref<768x50176xf32, #tpu.memory_space<hbm>>) target(%arg6 : memref<1x50176xf32, #tpu.memory_space<vmem>>) offsets(%dma_start3A_32 : memref<1xi32, #tpu.memory_space<vmem>>) semaphore(%arg8 : memref<!tpu.dma_semaphore, #tpu.memory_space<semaphore_mem>>)
    %add3A_36 = arith.constant 1 : i32
    %add3A_37 = arith.addi %mul3A_2, %add3A_36 : i32
    %dma_start3A_38 = arith.constant 0 : i32
    %dma_start3A_39 = tpu.memref_slice %arg4[%add3A_37, %dma_start3A_38] : memref<384x50176xf32, #tpu.memory_space<hbm>> -> memref<1x50176xf32, #tpu.memory_space<hbm>>
    %dma_start3A_40 = arith.constant 0 : i32
    %dma_start3A_41 = tpu.memref_slice %arg4[%add3A_37, %dma_start3A_40] : memref<384x50176xf32, #tpu.memory_space<hbm>> -> memref<1x50176xf32, #tpu.memory_space<hbm>>
    tpu.enqueue_dma source(%arg7 : memref<1x50176xf32, #tpu.memory_space<vmem>>) target(%dma_start3A_41 : memref<1x50176xf32, #tpu.memory_space<hbm>>) target_semaphore(%arg9 : memref<!tpu.dma_semaphore, #tpu.memory_space<semaphore_mem>>)
    %dma_wait3A_42 = arith.constant 16 : i32
    %dma_wait3A_43 = tpu.memref_slice %arg5[%dma_wait3A_42] : memref<96xi32, #tpu.memory_space<vmem>> -> memref<1xi32, #tpu.memory_space<vmem>>
    %dma_wait3A_44 = arith.constant 0 : i32
    %dma_wait3A_45 = arith.constant 0 : i32
    %dma_wait3A_46 = tpu.memref_slice %arg2[%dma_wait3A_44, %dma_wait3A_45] : memref<768x50176xf32, #tpu.memory_space<hbm>> -> memref<768x50176xf32, #tpu.memory_space<hbm>>
    tpu.wait_indirect_dma semaphore(%arg8 : memref<!tpu.dma_semaphore, #tpu.memory_space<semaphore_mem>>) src(%dma_wait3A_46 : memref<768x50176xf32, #tpu.memory_space<hbm>>) dst(%arg6 : memref<1x50176xf32, #tpu.memory_space<vmem>>)
    %dma_wait3A_47 = arith.constant 0 : i32
    %dma_wait3A_48 = tpu.memref_slice %arg4[%add3A_37, %dma_wait3A_47] : memref<384x50176xf32, #tpu.memory_space<hbm>> -> memref<1x50176xf32, #tpu.memory_space<hbm>>
    %dma_wait3A_49 = arith.constant 0 : i32
    %dma_wait3A_50 = tpu.memref_slice %arg4[%add3A_37, %dma_wait3A_49] : memref<384x50176xf32, #tpu.memory_space<hbm>> -> memref<1x50176xf32, #tpu.memory_space<hbm>>
    tpu.wait_dma2 semaphore(%arg9 : memref<!tpu.dma_semaphore, #tpu.memory_space<semaphore_mem>>) src(%arg7 : memref<1x50176xf32, #tpu.memory_space<vmem>>) dst(%dma_wait3A_50 : memref<1x50176xf32, #tpu.memory_space<hbm>>)
    %dma_start3A_51 = arith.constant 24 : i32
    %dma_start3A_52 = tpu.memref_slice %arg5[%dma_start3A_51] : memref<96xi32, #tpu.memory_space<vmem>> -> memref<1xi32, #tpu.memory_space<vmem>>
    %dma_start3A_53 = arith.constant 0 : i32
    %dma_start3A_54 = arith.constant 0 : i32
    %dma_start3A_55 = tpu.memref_slice %arg2[%dma_start3A_53, %dma_start3A_54] : memref<768x50176xf32, #tpu.memory_space<hbm>> -> memref<768x50176xf32, #tpu.memory_space<hbm>>
    tpu.enqueue_indirect_dma source(%dma_start3A_55 : memref<768x50176xf32, #tpu.memory_space<hbm>>) target(%arg7 : memref<1x50176xf32, #tpu.memory_space<vmem>>) offsets(%dma_start3A_52 : memref<1xi32, #tpu.memory_space<vmem>>) semaphore(%arg8 : memref<!tpu.dma_semaphore, #tpu.memory_space<semaphore_mem>>)
    %add3A_56 = arith.constant 2 : i32
    %add3A_57 = arith.addi %mul3A_2, %add3A_56 : i32
    %dma_start3A_58 = arith.constant 0 : i32
    %dma_start3A_59 = tpu.memref_slice %arg4[%add3A_57, %dma_start3A_58] : memref<384x50176xf32, #tpu.memory_space<hbm>> -> memref<1x50176xf32, #tpu.memory_space<hbm>>
    %dma_start3A_60 = arith.constant 0 : i32
    %dma_start3A_61 = tpu.memref_slice %arg4[%add3A_57, %dma_start3A_60] : memref<384x50176xf32, #tpu.memory_space<hbm>> -> memref<1x50176xf32, #tpu.memory_space<hbm>>
    tpu.enqueue_dma source(%arg6 : memref<1x50176xf32, #tpu.memory_space<vmem>>) target(%dma_start3A_61 : memref<1x50176xf32, #tpu.memory_space<hbm>>) target_semaphore(%arg9 : memref<!tpu.dma_semaphore, #tpu.memory_space<semaphore_mem>>)
    %dma_wait3A_62 = arith.constant 24 : i32
    %dma_wait3A_63 = tpu.memref_slice %arg5[%dma_wait3A_62] : memref<96xi32, #tpu.memory_space<vmem>> -> memref<1xi32, #tpu.memory_space<vmem>>
    %dma_wait3A_64 = arith.constant 0 : i32
    %dma_wait3A_65 = arith.constant 0 : i32
    %dma_wait3A_66 = tpu.memref_slice %arg2[%dma_wait3A_64, %dma_wait3A_65] : memref<768x50176xf32, #tpu.memory_space<hbm>> -> memref<768x50176xf32, #tpu.memory_space<hbm>>
    tpu.wait_indirect_dma semaphore(%arg8 : memref<!tpu.dma_semaphore, #tpu.memory_space<semaphore_mem>>) src(%dma_wait3A_66 : memref<768x50176xf32, #tpu.memory_space<hbm>>) dst(%arg7 : memref<1x50176xf32, #tpu.memory_space<vmem>>)
    %dma_wait3A_67 = arith.constant 0 : i32
    %dma_wait3A_68 = tpu.memref_slice %arg4[%add3A_57, %dma_wait3A_67] : memref<384x50176xf32, #tpu.memory_space<hbm>> -> memref<1x50176xf32, #tpu.memory_space<hbm>>
    %dma_wait3A_69 = arith.constant 0 : i32
    %dma_wait3A_70 = tpu.memref_slice %arg4[%add3A_57, %dma_wait3A_69] : memref<384x50176xf32, #tpu.memory_space<hbm>> -> memref<1x50176xf32, #tpu.memory_space<hbm>>
    tpu.wait_dma2 semaphore(%arg9 : memref<!tpu.dma_semaphore, #tpu.memory_space<semaphore_mem>>) src(%arg6 : memref<1x50176xf32, #tpu.memory_space<vmem>>) dst(%dma_wait3A_70 : memref<1x50176xf32, #tpu.memory_space<hbm>>)
    %dma_start3A_71 = arith.constant 32 : i32
    %dma_start3A_72 = tpu.memref_slice %arg5[%dma_start3A_71] : memref<96xi32, #tpu.memory_space<vmem>> -> memref<1xi32, #tpu.memory_space<vmem>>
    %dma_start3A_73 = arith.constant 0 : i32
    %dma_start3A_74 = arith.constant 0 : i32
    %dma_start3A_75 = tpu.memref_slice %arg2[%dma_start3A_73, %dma_start3A_74] : memref<768x50176xf32, #tpu.memory_space<hbm>> -> memref<768x50176xf32, #tpu.memory_space<hbm>>
    tpu.enqueue_indirect_dma source(%dma_start3A_75 : memref<768x50176xf32, #tpu.memory_space<hbm>>) target(%arg6 : memref<1x50176xf32, #tpu.memory_space<vmem>>) offsets(%dma_start3A_72 : memref<1xi32, #tpu.memory_space<vmem>>) semaphore(%arg8 : memref<!tpu.dma_semaphore, #tpu.memory_space<semaphore_mem>>)
    %add3A_76 = arith.constant 3 : i32
    %add3A_77 = arith.addi %mul3A_2, %add3A_76 : i32
    %dma_start3A_78 = arith.constant 0 : i32
    %dma_start3A_79 = tpu.memref_slice %arg4[%add3A_77, %dma_start3A_78] : memref<384x50176xf32, #tpu.memory_space<hbm>> -> memref<1x50176xf32, #tpu.memory_space<hbm>>
    %dma_start3A_80 = arith.constant 0 : i32
    %dma_start3A_81 = tpu.memref_slice %arg4[%add3A_77, %dma_start3A_80] : memref<384x50176xf32, #tpu.memory_space<hbm>> -> memref<1x50176xf32, #tpu.memory_space<hbm>>
    tpu.enqueue_dma source(%arg7 : memref<1x50176xf32, #tpu.memory_space<vmem>>) target(%dma_start3A_81 : memref<1x50176xf32, #tpu.memory_space<hbm>>) target_semaphore(%arg9 : memref<!tpu.dma_semaphore, #tpu.memory_space<semaphore_mem>>)
    %dma_wait3A_82 = arith.constant 32 : i32
    %dma_wait3A_83 = tpu.memref_slice %arg5[%dma_wait3A_82] : memref<96xi32, #tpu.memory_space<vmem>> -> memref<1xi32, #tpu.memory_space<vmem>>
    %dma_wait3A_84 = arith.constant 0 : i32
    %dma_wait3A_85 = arith.constant 0 : i32
    %dma_wait3A_86 = tpu.memref_slice %arg2[%dma_wait3A_84, %dma_wait3A_85] : memref<768x50176xf32, #tpu.memory_space<hbm>> -> memref<768x50176xf32, #tpu.memory_space<hbm>>
    tpu.wait_indirect_dma semaphore(%arg8 : memref<!tpu.dma_semaphore, #tpu.memory_space<semaphore_mem>>) src(%dma_wait3A_86 : memref<768x50176xf32, #tpu.memory_space<hbm>>) dst(%arg6 : memref<1x50176xf32, #tpu.memory_space<vmem>>)
    %dma_wait3A_87 = arith.constant 0 : i32
    %dma_wait3A_88 = tpu.memref_slice %arg4[%add3A_77, %dma_wait3A_87] : memref<384x50176xf32, #tpu.memory_space<hbm>> -> memref<1x50176xf32, #tpu.memory_space<hbm>>
    %dma_wait3A_89 = arith.constant 0 : i32
    %dma_wait3A_90 = tpu.memref_slice %arg4[%add3A_77, %dma_wait3A_89] : memref<384x50176xf32, #tpu.memory_space<hbm>> -> memref<1x50176xf32, #tpu.memory_space<hbm>>
    tpu.wait_dma2 semaphore(%arg9 : memref<!tpu.dma_semaphore, #tpu.memory_space<semaphore_mem>>) src(%arg7 : memref<1x50176xf32, #tpu.memory_space<vmem>>) dst(%dma_wait3A_90 : memref<1x50176xf32, #tpu.memory_space<hbm>>)
    %dma_start3A_91 = arith.constant 40 : i32
    %dma_start3A_92 = tpu.memref_slice %arg5[%dma_start3A_91] : memref<96xi32, #tpu.memory_space<vmem>> -> memref<1xi32, #tpu.memory_space<vmem>>
    %dma_start3A_93 = arith.constant 0 : i32
    %dma_start3A_94 = arith.constant 0 : i32
    %dma_start3A_95 = tpu.memref_slice %arg2[%dma_start3A_93, %dma_start3A_94] : memref<768x50176xf32, #tpu.memory_space<hbm>> -> memref<768x50176xf32, #tpu.memory_space<hbm>>
    tpu.enqueue_indirect_dma source(%dma_start3A_95 : memref<768x50176xf32, #tpu.memory_space<hbm>>) target(%arg7 : memref<1x50176xf32, #tpu.memory_space<vmem>>) offsets(%dma_start3A_92 : memref<1xi32, #tpu.memory_space<vmem>>) semaphore(%arg8 : memref<!tpu.dma_semaphore, #tpu.memory_space<semaphore_mem>>)
    %add3A_96 = arith.constant 4 : i32
    %add3A_97 = arith.addi %mul3A_2, %add3A_96 : i32
    %dma_start3A_98 = arith.constant 0 : i32
    %dma_start3A_99 = tpu.memref_slice %arg4[%add3A_97, %dma_start3A_98] : memref<384x50176xf32, #tpu.memory_space<hbm>> -> memref<1x50176xf32, #tpu.memory_space<hbm>>
    %dma_start3A_100 = arith.constant 0 : i32
    %dma_start3A_101 = tpu.memref_slice %arg4[%add3A_97, %dma_start3A_100] : memref<384x50176xf32, #tpu.memory_space<hbm>> -> memref<1x50176xf32, #tpu.memory_space<hbm>>
    tpu.enqueue_dma source(%arg6 : memref<1x50176xf32, #tpu.memory_space<vmem>>) target(%dma_start3A_101 : memref<1x50176xf32, #tpu.memory_space<hbm>>) target_semaphore(%arg9 : memref<!tpu.dma_semaphore, #tpu.memory_space<semaphore_mem>>)
    %dma_wait3A_102 = arith.constant 40 : i32
    %dma_wait3A_103 = tpu.memref_slice %arg5[%dma_wait3A_102] : memref<96xi32, #tpu.memory_space<vmem>> -> memref<1xi32, #tpu.memory_space<vmem>>
    %dma_wait3A_104 = arith.constant 0 : i32
    %dma_wait3A_105 = arith.constant 0 : i32
    %dma_wait3A_106 = tpu.memref_slice %arg2[%dma_wait3A_104, %dma_wait3A_105] : memref<768x50176xf32, #tpu.memory_space<hbm>> -> memref<768x50176xf32, #tpu.memory_space<hbm>>
    tpu.wait_indirect_dma semaphore(%arg8 : memref<!tpu.dma_semaphore, #tpu.memory_space<semaphore_mem>>) src(%dma_wait3A_106 : memref<768x50176xf32, #tpu.memory_space<hbm>>) dst(%arg7 : memref<1x50176xf32, #tpu.memory_space<vmem>>)
    %dma_wait3A_107 = arith.constant 0 : i32
    %dma_wait3A_108 = tpu.memref_slice %arg4[%add3A_97, %dma_wait3A_107] : memref<384x50176xf32, #tpu.memory_space<hbm>> -> memref<1x50176xf32, #tpu.memory_space<hbm>>
    %dma_wait3A_109 = arith.constant 0 : i32
    %dma_wait3A_110 = tpu.memref_slice %arg4[%add3A_97, %dma_wait3A_109] : memref<384x50176xf32, #tpu.memory_space<hbm>> -> memref<1x50176xf32, #tpu.memory_space<hbm>>
    tpu.wait_dma2 semaphore(%arg9 : memref<!tpu.dma_semaphore, #tpu.memory_space<semaphore_mem>>) src(%arg6 : memref<1x50176xf32, #tpu.memory_space<vmem>>) dst(%dma_wait3A_110 : memref<1x50176xf32, #tpu.memory_space<hbm>>)
    %dma_start3A_111 = arith.constant 48 : i32
    %dma_start3A_112 = tpu.memref_slice %arg5[%dma_start3A_111] : memref<96xi32, #tpu.memory_space<vmem>> -> memref<1xi32, #tpu.memory_space<vmem>>
    %dma_start3A_113 = arith.constant 0 : i32
    %dma_start3A_114 = arith.constant 0 : i32
    %dma_start3A_115 = tpu.memref_slice %arg2[%dma_start3A_113, %dma_start3A_114] : memref<768x50176xf32, #tpu.memory_space<hbm>> -> memref<768x50176xf32, #tpu.memory_space<hbm>>
    tpu.enqueue_indirect_dma source(%dma_start3A_115 : memref<768x50176xf32, #tpu.memory_space<hbm>>) target(%arg6 : memref<1x50176xf32, #tpu.memory_space<vmem>>) offsets(%dma_start3A_112 : memref<1xi32, #tpu.memory_space<vmem>>) semaphore(%arg8 : memref<!tpu.dma_semaphore, #tpu.memory_space<semaphore_mem>>)
    %add3A_116 = arith.constant 5 : i32
    %add3A_117 = arith.addi %mul3A_2, %add3A_116 : i32
    %dma_start3A_118 = arith.constant 0 : i32
    %dma_start3A_119 = tpu.memref_slice %arg4[%add3A_117, %dma_start3A_118] : memref<384x50176xf32, #tpu.memory_space<hbm>> -> memref<1x50176xf32, #tpu.memory_space<hbm>>
    %dma_start3A_120 = arith.constant 0 : i32
    %dma_start3A_121 = tpu.memref_slice %arg4[%add3A_117, %dma_start3A_120] : memref<384x50176xf32, #tpu.memory_space<hbm>> -> memref<1x50176xf32, #tpu.memory_space<hbm>>
    tpu.enqueue_dma source(%arg7 : memref<1x50176xf32, #tpu.memory_space<vmem>>) target(%dma_start3A_121 : memref<1x50176xf32, #tpu.memory_space<hbm>>) target_semaphore(%arg9 : memref<!tpu.dma_semaphore, #tpu.memory_space<semaphore_mem>>)
    %dma_wait3A_122 = arith.constant 48 : i32
    %dma_wait3A_123 = tpu.memref_slice %arg5[%dma_wait3A_122] : memref<96xi32, #tpu.memory_space<vmem>> -> memref<1xi32, #tpu.memory_space<vmem>>
    %dma_wait3A_124 = arith.constant 0 : i32
    %dma_wait3A_125 = arith.constant 0 : i32
    %dma_wait3A_126 = tpu.memref_slice %arg2[%dma_wait3A_124, %dma_wait3A_125] : memref<768x50176xf32, #tpu.memory_space<hbm>> -> memref<768x50176xf32, #tpu.memory_space<hbm>>
    tpu.wait_indirect_dma semaphore(%arg8 : memref<!tpu.dma_semaphore, #tpu.memory_space<semaphore_mem>>) src(%dma_wait3A_126 : memref<768x50176xf32, #tpu.memory_space<hbm>>) dst(%arg6 : memref<1x50176xf32, #tpu.memory_space<vmem>>)
    %dma_wait3A_127 = arith.constant 0 : i32
    %dma_wait3A_128 = tpu.memref_slice %arg4[%add3A_117, %dma_wait3A_127] : memref<384x50176xf32, #tpu.memory_space<hbm>> -> memref<1x50176xf32, #tpu.memory_space<hbm>>
    %dma_wait3A_129 = arith.constant 0 : i32
    %dma_wait3A_130 = tpu.memref_slice %arg4[%add3A_117, %dma_wait3A_129] : memref<384x50176xf32, #tpu.memory_space<hbm>> -> memref<1x50176xf32, #tpu.memory_space<hbm>>
    tpu.wait_dma2 semaphore(%arg9 : memref<!tpu.dma_semaphore, #tpu.memory_space<semaphore_mem>>) src(%arg7 : memref<1x50176xf32, #tpu.memory_space<vmem>>) dst(%dma_wait3A_130 : memref<1x50176xf32, #tpu.memory_space<hbm>>)
    %dma_start3A_131 = arith.constant 56 : i32
    %dma_start3A_132 = tpu.memref_slice %arg5[%dma_start3A_131] : memref<96xi32, #tpu.memory_space<vmem>> -> memref<1xi32, #tpu.memory_space<vmem>>
    %dma_start3A_133 = arith.constant 0 : i32
    %dma_start3A_134 = arith.constant 0 : i32
    %dma_start3A_135 = tpu.memref_slice %arg2[%dma_start3A_133, %dma_start3A_134] : memref<768x50176xf32, #tpu.memory_space<hbm>> -> memref<768x50176xf32, #tpu.memory_space<hbm>>
    tpu.enqueue_indirect_dma source(%dma_start3A_135 : memref<768x50176xf32, #tpu.memory_space<hbm>>) target(%arg7 : memref<1x50176xf32, #tpu.memory_space<vmem>>) offsets(%dma_start3A_132 : memref<1xi32, #tpu.memory_space<vmem>>) semaphore(%arg8 : memref<!tpu.dma_semaphore, #tpu.memory_space<semaphore_mem>>)
    %add3A_136 = arith.constant 6 : i32
    %add3A_137 = arith.addi %mul3A_2, %add3A_136 : i32
    %dma_start3A_138 = arith.constant 0 : i32
    %dma_start3A_139 = tpu.memref_slice %arg4[%add3A_137, %dma_start3A_138] : memref<384x50176xf32, #tpu.memory_space<hbm>> -> memref<1x50176xf32, #tpu.memory_space<hbm>>
    %dma_start3A_140 = arith.constant 0 : i32
    %dma_start3A_141 = tpu.memref_slice %arg4[%add3A_137, %dma_start3A_140] : memref<384x50176xf32, #tpu.memory_space<hbm>> -> memref<1x50176xf32, #tpu.memory_space<hbm>>
    tpu.enqueue_dma source(%arg6 : memref<1x50176xf32, #tpu.memory_space<vmem>>) target(%dma_start3A_141 : memref<1x50176xf32, #tpu.memory_space<hbm>>) target_semaphore(%arg9 : memref<!tpu.dma_semaphore, #tpu.memory_space<semaphore_mem>>)
    %dma_wait3A_142 = arith.constant 56 : i32
    %dma_wait3A_143 = tpu.memref_slice %arg5[%dma_wait3A_142] : memref<96xi32, #tpu.memory_space<vmem>> -> memref<1xi32, #tpu.memory_space<vmem>>
    %dma_wait3A_144 = arith.constant 0 : i32
    %dma_wait3A_145 = arith.constant 0 : i32
    %dma_wait3A_146 = tpu.memref_slice %arg2[%dma_wait3A_144, %dma_wait3A_145] : memref<768x50176xf32, #tpu.memory_space<hbm>> -> memref<768x50176xf32, #tpu.memory_space<hbm>>
    tpu.wait_indirect_dma semaphore(%arg8 : memref<!tpu.dma_semaphore, #tpu.memory_space<semaphore_mem>>) src(%dma_wait3A_146 : memref<768x50176xf32, #tpu.memory_space<hbm>>) dst(%arg7 : memref<1x50176xf32, #tpu.memory_space<vmem>>)
    %dma_wait3A_147 = arith.constant 0 : i32
    %dma_wait3A_148 = tpu.memref_slice %arg4[%add3A_137, %dma_wait3A_147] : memref<384x50176xf32, #tpu.memory_space<hbm>> -> memref<1x50176xf32, #tpu.memory_space<hbm>>
    %dma_wait3A_149 = arith.constant 0 : i32
    %dma_wait3A_150 = tpu.memref_slice %arg4[%add3A_137, %dma_wait3A_149] : memref<384x50176xf32, #tpu.memory_space<hbm>> -> memref<1x50176xf32, #tpu.memory_space<hbm>>
    tpu.wait_dma2 semaphore(%arg9 : memref<!tpu.dma_semaphore, #tpu.memory_space<semaphore_mem>>) src(%arg6 : memref<1x50176xf32, #tpu.memory_space<vmem>>) dst(%dma_wait3A_150 : memref<1x50176xf32, #tpu.memory_space<hbm>>)
    %dma_start3A_151 = arith.constant 64 : i32
    %dma_start3A_152 = tpu.memref_slice %arg5[%dma_start3A_151] : memref<96xi32, #tpu.memory_space<vmem>> -> memref<1xi32, #tpu.memory_space<vmem>>
    %dma_start3A_153 = arith.constant 0 : i32
    %dma_start3A_154 = arith.constant 0 : i32
    %dma_start3A_155 = tpu.memref_slice %arg2[%dma_start3A_153, %dma_start3A_154] : memref<768x50176xf32, #tpu.memory_space<hbm>> -> memref<768x50176xf32, #tpu.memory_space<hbm>>
    tpu.enqueue_indirect_dma source(%dma_start3A_155 : memref<768x50176xf32, #tpu.memory_space<hbm>>) target(%arg6 : memref<1x50176xf32, #tpu.memory_space<vmem>>) offsets(%dma_start3A_152 : memref<1xi32, #tpu.memory_space<vmem>>) semaphore(%arg8 : memref<!tpu.dma_semaphore, #tpu.memory_space<semaphore_mem>>)
    %add3A_156 = arith.constant 7 : i32
    %add3A_157 = arith.addi %mul3A_2, %add3A_156 : i32
    %dma_start3A_158 = arith.constant 0 : i32
    %dma_start3A_159 = tpu.memref_slice %arg4[%add3A_157, %dma_start3A_158] : memref<384x50176xf32, #tpu.memory_space<hbm>> -> memref<1x50176xf32, #tpu.memory_space<hbm>>
    %dma_start3A_160 = arith.constant 0 : i32
    %dma_start3A_161 = tpu.memref_slice %arg4[%add3A_157, %dma_start3A_160] : memref<384x50176xf32, #tpu.memory_space<hbm>> -> memref<1x50176xf32, #tpu.memory_space<hbm>>
    tpu.enqueue_dma source(%arg7 : memref<1x50176xf32, #tpu.memory_space<vmem>>) target(%dma_start3A_161 : memref<1x50176xf32, #tpu.memory_space<hbm>>) target_semaphore(%arg9 : memref<!tpu.dma_semaphore, #tpu.memory_space<semaphore_mem>>)
    %dma_wait3A_162 = arith.constant 64 : i32
    %dma_wait3A_163 = tpu.memref_slice %arg5[%dma_wait3A_162] : memref<96xi32, #tpu.memory_space<vmem>> -> memref<1xi32, #tpu.memory_space<vmem>>
    %dma_wait3A_164 = arith.constant 0 : i32
    %dma_wait3A_165 = arith.constant 0 : i32
    %dma_wait3A_166 = tpu.memref_slice %arg2[%dma_wait3A_164, %dma_wait3A_165] : memref<768x50176xf32, #tpu.memory_space<hbm>> -> memref<768x50176xf32, #tpu.memory_space<hbm>>
    tpu.wait_indirect_dma semaphore(%arg8 : memref<!tpu.dma_semaphore, #tpu.memory_space<semaphore_mem>>) src(%dma_wait3A_166 : memref<768x50176xf32, #tpu.memory_space<hbm>>) dst(%arg6 : memref<1x50176xf32, #tpu.memory_space<vmem>>)
    %dma_wait3A_167 = arith.constant 0 : i32
    %dma_wait3A_168 = tpu.memref_slice %arg4[%add3A_157, %dma_wait3A_167] : memref<384x50176xf32, #tpu.memory_space<hbm>> -> memref<1x50176xf32, #tpu.memory_space<hbm>>
    %dma_wait3A_169 = arith.constant 0 : i32
    %dma_wait3A_170 = tpu.memref_slice %arg4[%add3A_157, %dma_wait3A_169] : memref<384x50176xf32, #tpu.memory_space<hbm>> -> memref<1x50176xf32, #tpu.memory_space<hbm>>
    tpu.wait_dma2 semaphore(%arg9 : memref<!tpu.dma_semaphore, #tpu.memory_space<semaphore_mem>>) src(%arg7 : memref<1x50176xf32, #tpu.memory_space<vmem>>) dst(%dma_wait3A_170 : memref<1x50176xf32, #tpu.memory_space<hbm>>)
    %dma_start3A_171 = arith.constant 72 : i32
    %dma_start3A_172 = tpu.memref_slice %arg5[%dma_start3A_171] : memref<96xi32, #tpu.memory_space<vmem>> -> memref<1xi32, #tpu.memory_space<vmem>>
    %dma_start3A_173 = arith.constant 0 : i32
    %dma_start3A_174 = arith.constant 0 : i32
    %dma_start3A_175 = tpu.memref_slice %arg2[%dma_start3A_173, %dma_start3A_174] : memref<768x50176xf32, #tpu.memory_space<hbm>> -> memref<768x50176xf32, #tpu.memory_space<hbm>>
    tpu.enqueue_indirect_dma source(%dma_start3A_175 : memref<768x50176xf32, #tpu.memory_space<hbm>>) target(%arg7 : memref<1x50176xf32, #tpu.memory_space<vmem>>) offsets(%dma_start3A_172 : memref<1xi32, #tpu.memory_space<vmem>>) semaphore(%arg8 : memref<!tpu.dma_semaphore, #tpu.memory_space<semaphore_mem>>)
    %add3A_176 = arith.constant 8 : i32
    %add3A_177 = arith.addi %mul3A_2, %add3A_176 : i32
    %dma_start3A_178 = arith.constant 0 : i32
    %dma_start3A_179 = tpu.memref_slice %arg4[%add3A_177, %dma_start3A_178] : memref<384x50176xf32, #tpu.memory_space<hbm>> -> memref<1x50176xf32, #tpu.memory_space<hbm>>
    %dma_start3A_180 = arith.constant 0 : i32
    %dma_start3A_181 = tpu.memref_slice %arg4[%add3A_177, %dma_start3A_180] : memref<384x50176xf32, #tpu.memory_space<hbm>> -> memref<1x50176xf32, #tpu.memory_space<hbm>>
    tpu.enqueue_dma source(%arg6 : memref<1x50176xf32, #tpu.memory_space<vmem>>) target(%dma_start3A_181 : memref<1x50176xf32, #tpu.memory_space<hbm>>) target_semaphore(%arg9 : memref<!tpu.dma_semaphore, #tpu.memory_space<semaphore_mem>>)
    %dma_wait3A_182 = arith.constant 72 : i32
    %dma_wait3A_183 = tpu.memref_slice %arg5[%dma_wait3A_182] : memref<96xi32, #tpu.memory_space<vmem>> -> memref<1xi32, #tpu.memory_space<vmem>>
    %dma_wait3A_184 = arith.constant 0 : i32
    %dma_wait3A_185 = arith.constant 0 : i32
    %dma_wait3A_186 = tpu.memref_slice %arg2[%dma_wait3A_184, %dma_wait3A_185] : memref<768x50176xf32, #tpu.memory_space<hbm>> -> memref<768x50176xf32, #tpu.memory_space<hbm>>
    tpu.wait_indirect_dma semaphore(%arg8 : memref<!tpu.dma_semaphore, #tpu.memory_space<semaphore_mem>>) src(%dma_wait3A_186 : memref<768x50176xf32, #tpu.memory_space<hbm>>) dst(%arg7 : memref<1x50176xf32, #tpu.memory_space<vmem>>)
    %dma_wait3A_187 = arith.constant 0 : i32
    %dma_wait3A_188 = tpu.memref_slice %arg4[%add3A_177, %dma_wait3A_187] : memref<384x50176xf32, #tpu.memory_space<hbm>> -> memref<1x50176xf32, #tpu.memory_space<hbm>>
    %dma_wait3A_189 = arith.constant 0 : i32
    %dma_wait3A_190 = tpu.memref_slice %arg4[%add3A_177, %dma_wait3A_189] : memref<384x50176xf32, #tpu.memory_space<hbm>> -> memref<1x50176xf32, #tpu.memory_space<hbm>>
    tpu.wait_dma2 semaphore(%arg9 : memref<!tpu.dma_semaphore, #tpu.memory_space<semaphore_mem>>) src(%arg6 : memref<1x50176xf32, #tpu.memory_space<vmem>>) dst(%dma_wait3A_190 : memref<1x50176xf32, #tpu.memory_space<hbm>>)
    %dma_start3A_191 = arith.constant 80 : i32
    %dma_start3A_192 = tpu.memref_slice %arg5[%dma_start3A_191] : memref<96xi32, #tpu.memory_space<vmem>> -> memref<1xi32, #tpu.memory_space<vmem>>
    %dma_start3A_193 = arith.constant 0 : i32
    %dma_start3A_194 = arith.constant 0 : i32
    %dma_start3A_195 = tpu.memref_slice %arg2[%dma_start3A_193, %dma_start3A_194] : memref<768x50176xf32, #tpu.memory_space<hbm>> -> memref<768x50176xf32, #tpu.memory_space<hbm>>
    tpu.enqueue_indirect_dma source(%dma_start3A_195 : memref<768x50176xf32, #tpu.memory_space<hbm>>) target(%arg6 : memref<1x50176xf32, #tpu.memory_space<vmem>>) offsets(%dma_start3A_192 : memref<1xi32, #tpu.memory_space<vmem>>) semaphore(%arg8 : memref<!tpu.dma_semaphore, #tpu.memory_space<semaphore_mem>>)
    %add3A_196 = arith.constant 9 : i32
    %add3A_197 = arith.addi %mul3A_2, %add3A_196 : i32
    %dma_start3A_198 = arith.constant 0 : i32
    %dma_start3A_199 = tpu.memref_slice %arg4[%add3A_197, %dma_start3A_198] : memref<384x50176xf32, #tpu.memory_space<hbm>> -> memref<1x50176xf32, #tpu.memory_space<hbm>>
    %dma_start3A_200 = arith.constant 0 : i32
    %dma_start3A_201 = tpu.memref_slice %arg4[%add3A_197, %dma_start3A_200] : memref<384x50176xf32, #tpu.memory_space<hbm>> -> memref<1x50176xf32, #tpu.memory_space<hbm>>
    tpu.enqueue_dma source(%arg7 : memref<1x50176xf32, #tpu.memory_space<vmem>>) target(%dma_start3A_201 : memref<1x50176xf32, #tpu.memory_space<hbm>>) target_semaphore(%arg9 : memref<!tpu.dma_semaphore, #tpu.memory_space<semaphore_mem>>)
    %dma_wait3A_202 = arith.constant 80 : i32
    %dma_wait3A_203 = tpu.memref_slice %arg5[%dma_wait3A_202] : memref<96xi32, #tpu.memory_space<vmem>> -> memref<1xi32, #tpu.memory_space<vmem>>
    %dma_wait3A_204 = arith.constant 0 : i32
    %dma_wait3A_205 = arith.constant 0 : i32
    %dma_wait3A_206 = tpu.memref_slice %arg2[%dma_wait3A_204, %dma_wait3A_205] : memref<768x50176xf32, #tpu.memory_space<hbm>> -> memref<768x50176xf32, #tpu.memory_space<hbm>>
    tpu.wait_indirect_dma semaphore(%arg8 : memref<!tpu.dma_semaphore, #tpu.memory_space<semaphore_mem>>) src(%dma_wait3A_206 : memref<768x50176xf32, #tpu.memory_space<hbm>>) dst(%arg6 : memref<1x50176xf32, #tpu.memory_space<vmem>>)
    %dma_wait3A_207 = arith.constant 0 : i32
    %dma_wait3A_208 = tpu.memref_slice %arg4[%add3A_197, %dma_wait3A_207] : memref<384x50176xf32, #tpu.memory_space<hbm>> -> memref<1x50176xf32, #tpu.memory_space<hbm>>
    %dma_wait3A_209 = arith.constant 0 : i32
    %dma_wait3A_210 = tpu.memref_slice %arg4[%add3A_197, %dma_wait3A_209] : memref<384x50176xf32, #tpu.memory_space<hbm>> -> memref<1x50176xf32, #tpu.memory_space<hbm>>
    tpu.wait_dma2 semaphore(%arg9 : memref<!tpu.dma_semaphore, #tpu.memory_space<semaphore_mem>>) src(%arg7 : memref<1x50176xf32, #tpu.memory_space<vmem>>) dst(%dma_wait3A_210 : memref<1x50176xf32, #tpu.memory_space<hbm>>)
    %dma_start3A_211 = arith.constant 88 : i32
    %dma_start3A_212 = tpu.memref_slice %arg5[%dma_start3A_211] : memref<96xi32, #tpu.memory_space<vmem>> -> memref<1xi32, #tpu.memory_space<vmem>>
    %dma_start3A_213 = arith.constant 0 : i32
    %dma_start3A_214 = arith.constant 0 : i32
    %dma_start3A_215 = tpu.memref_slice %arg2[%dma_start3A_213, %dma_start3A_214] : memref<768x50176xf32, #tpu.memory_space<hbm>> -> memref<768x50176xf32, #tpu.memory_space<hbm>>
    tpu.enqueue_indirect_dma source(%dma_start3A_215 : memref<768x50176xf32, #tpu.memory_space<hbm>>) target(%arg7 : memref<1x50176xf32, #tpu.memory_space<vmem>>) offsets(%dma_start3A_212 : memref<1xi32, #tpu.memory_space<vmem>>) semaphore(%arg8 : memref<!tpu.dma_semaphore, #tpu.memory_space<semaphore_mem>>)
    %add3A_216 = arith.constant 10 : i32
    %add3A_217 = arith.addi %mul3A_2, %add3A_216 : i32
    %dma_start3A_218 = arith.constant 0 : i32
    %dma_start3A_219 = tpu.memref_slice %arg4[%add3A_217, %dma_start3A_218] : memref<384x50176xf32, #tpu.memory_space<hbm>> -> memref<1x50176xf32, #tpu.memory_space<hbm>>
    %dma_start3A_220 = arith.constant 0 : i32
    %dma_start3A_221 = tpu.memref_slice %arg4[%add3A_217, %dma_start3A_220] : memref<384x50176xf32, #tpu.memory_space<hbm>> -> memref<1x50176xf32, #tpu.memory_space<hbm>>
    tpu.enqueue_dma source(%arg6 : memref<1x50176xf32, #tpu.memory_space<vmem>>) target(%dma_start3A_221 : memref<1x50176xf32, #tpu.memory_space<hbm>>) target_semaphore(%arg9 : memref<!tpu.dma_semaphore, #tpu.memory_space<semaphore_mem>>)
    %dma_wait3A_222 = arith.constant 88 : i32
    %dma_wait3A_223 = tpu.memref_slice %arg5[%dma_wait3A_222] : memref<96xi32, #tpu.memory_space<vmem>> -> memref<1xi32, #tpu.memory_space<vmem>>
    %dma_wait3A_224 = arith.constant 0 : i32
    %dma_wait3A_225 = arith.constant 0 : i32
    %dma_wait3A_226 = tpu.memref_slice %arg2[%dma_wait3A_224, %dma_wait3A_225] : memref<768x50176xf32, #tpu.memory_space<hbm>> -> memref<768x50176xf32, #tpu.memory_space<hbm>>
    tpu.wait_indirect_dma semaphore(%arg8 : memref<!tpu.dma_semaphore, #tpu.memory_space<semaphore_mem>>) src(%dma_wait3A_226 : memref<768x50176xf32, #tpu.memory_space<hbm>>) dst(%arg7 : memref<1x50176xf32, #tpu.memory_space<vmem>>)
    %dma_wait3A_227 = arith.constant 0 : i32
    %dma_wait3A_228 = tpu.memref_slice %arg4[%add3A_217, %dma_wait3A_227] : memref<384x50176xf32, #tpu.memory_space<hbm>> -> memref<1x50176xf32, #tpu.memory_space<hbm>>
    %dma_wait3A_229 = arith.constant 0 : i32
    %dma_wait3A_230 = tpu.memref_slice %arg4[%add3A_217, %dma_wait3A_229] : memref<384x50176xf32, #tpu.memory_space<hbm>> -> memref<1x50176xf32, #tpu.memory_space<hbm>>
    tpu.wait_dma2 semaphore(%arg9 : memref<!tpu.dma_semaphore, #tpu.memory_space<semaphore_mem>>) src(%arg6 : memref<1x50176xf32, #tpu.memory_space<vmem>>) dst(%dma_wait3A_230 : memref<1x50176xf32, #tpu.memory_space<hbm>>)
    %add3A_231 = arith.constant 11 : i32
    %add3A_232 = arith.addi %mul3A_2, %add3A_231 : i32
    %dma_start3A_233 = arith.constant 0 : i32
    %dma_start3A_234 = tpu.memref_slice %arg4[%add3A_232, %dma_start3A_233] : memref<384x50176xf32, #tpu.memory_space<hbm>> -> memref<1x50176xf32, #tpu.memory_space<hbm>>
    %dma_start3A_235 = arith.constant 0 : i32
    %dma_start3A_236 = tpu.memref_slice %arg4[%add3A_232, %dma_start3A_235] : memref<384x50176xf32, #tpu.memory_space<hbm>> -> memref<1x50176xf32, #tpu.memory_space<hbm>>
    tpu.enqueue_dma source(%arg7 : memref<1x50176xf32, #tpu.memory_space<vmem>>) target(%dma_start3A_236 : memref<1x50176xf32, #tpu.memory_space<hbm>>) target_semaphore(%arg9 : memref<!tpu.dma_semaphore, #tpu.memory_space<semaphore_mem>>)
    %dma_wait3A_237 = arith.constant 0 : i32
    %dma_wait3A_238 = tpu.memref_slice %arg4[%add3A_232, %dma_wait3A_237] : memref<384x50176xf32, #tpu.memory_space<hbm>> -> memref<1x50176xf32, #tpu.memory_space<hbm>>
    %dma_wait3A_239 = arith.constant 0 : i32
    %dma_wait3A_240 = tpu.memref_slice %arg4[%add3A_232, %dma_wait3A_239] : memref<384x50176xf32, #tpu.memory_space<hbm>> -> memref<1x50176xf32, #tpu.memory_space<hbm>>
    tpu.wait_dma2 semaphore(%arg9 : memref<!tpu.dma_semaphore, #tpu.memory_space<semaphore_mem>>) src(%arg7 : memref<1x50176xf32, #tpu.memory_space<vmem>>) dst(%dma_wait3A_240 : memref<1x50176xf32, #tpu.memory_space<hbm>>)
    return
  }
}

module attributes {stable_mosaic.version = 14 : i64} {
  func.func @_pool_min_body(%arg0: i32, %arg1: memref<16x224x224xf32, #tpu.memory_space<vmem>>, %arg2: memref<1x1x16xf32, #tpu.memory_space<vmem>>) attributes {dimension_semantics = [#tpu.dimension_semantics<arbitrary>], iteration_bounds = array<i64: 48>, scalar_prefetch = 0 : i64, scratch_operands = 0 : i64, tpu.core_type = #tpu.core_type<tc>, window_params = [{transform_indices = @transform_0, window_bounds = array<i64: 16, 224, 224>}, {transform_indices = @transform_1, window_bounds = array<i64: 1, 1, 16>}]} {
    %get3A = arith.constant 0 : index
    %get3A_0 = arith.constant 0 : index
    %get3A_1 = arith.constant 0 : index
    %get3A_2 = vector.load %arg1[%get3A, %get3A_0, %get3A_1] : memref<16x224x224xf32, #tpu.memory_space<vmem>>, vector<16x224x224xf32>
    %transpose3A = tpu.transpose %get3A_2, [0, 2, 1] : vector<16x224x224xf32> -> vector<16x224x224xf32>
    %slice3A = vector.extract_strided_slice %transpose3A {offsets = [0, 0, 0], sizes = [16, 218, 224], strides = [1, 1, 1]} : vector<16x224x224xf32> to vector<16x218x224xf32>
    %slice3A_3 = vector.extract_strided_slice %transpose3A {offsets = [0, 1, 0], sizes = [16, 218, 224], strides = [1, 1, 1]} : vector<16x224x224xf32> to vector<16x218x224xf32>
    %add3A = arith.addf %slice3A, %slice3A_3 : vector<16x218x224xf32>
    %slice3A_4 = vector.extract_strided_slice %transpose3A {offsets = [0, 2, 0], sizes = [16, 218, 224], strides = [1, 1, 1]} : vector<16x224x224xf32> to vector<16x218x224xf32>
    %add3A_5 = arith.addf %add3A, %slice3A_4 : vector<16x218x224xf32>
    %slice3A_6 = vector.extract_strided_slice %transpose3A {offsets = [0, 3, 0], sizes = [16, 218, 224], strides = [1, 1, 1]} : vector<16x224x224xf32> to vector<16x218x224xf32>
    %add3A_7 = arith.addf %add3A_5, %slice3A_6 : vector<16x218x224xf32>
    %slice3A_8 = vector.extract_strided_slice %transpose3A {offsets = [0, 4, 0], sizes = [16, 218, 224], strides = [1, 1, 1]} : vector<16x224x224xf32> to vector<16x218x224xf32>
    %add3A_9 = arith.addf %add3A_7, %slice3A_8 : vector<16x218x224xf32>
    %slice3A_10 = vector.extract_strided_slice %transpose3A {offsets = [0, 5, 0], sizes = [16, 218, 224], strides = [1, 1, 1]} : vector<16x224x224xf32> to vector<16x218x224xf32>
    %add3A_11 = arith.addf %add3A_9, %slice3A_10 : vector<16x218x224xf32>
    %slice3A_12 = vector.extract_strided_slice %transpose3A {offsets = [0, 6, 0], sizes = [16, 218, 224], strides = [1, 1, 1]} : vector<16x224x224xf32> to vector<16x218x224xf32>
    %add3A_13 = arith.addf %add3A_11, %slice3A_12 : vector<16x218x224xf32>
    %transpose3A_14 = tpu.transpose %add3A_13, [0, 2, 1] : vector<16x218x224xf32> -> vector<16x224x218xf32>
    %slice3A_15 = vector.extract_strided_slice %transpose3A_14 {offsets = [0, 0, 0], sizes = [16, 218, 218], strides = [1, 1, 1]} : vector<16x224x218xf32> to vector<16x218x218xf32>
    %slice3A_16 = vector.extract_strided_slice %transpose3A_14 {offsets = [0, 1, 0], sizes = [16, 218, 218], strides = [1, 1, 1]} : vector<16x224x218xf32> to vector<16x218x218xf32>
    %add3A_17 = arith.addf %slice3A_15, %slice3A_16 : vector<16x218x218xf32>
    %slice3A_18 = vector.extract_strided_slice %transpose3A_14 {offsets = [0, 2, 0], sizes = [16, 218, 218], strides = [1, 1, 1]} : vector<16x224x218xf32> to vector<16x218x218xf32>
    %add3A_19 = arith.addf %add3A_17, %slice3A_18 : vector<16x218x218xf32>
    %slice3A_20 = vector.extract_strided_slice %transpose3A_14 {offsets = [0, 3, 0], sizes = [16, 218, 218], strides = [1, 1, 1]} : vector<16x224x218xf32> to vector<16x218x218xf32>
    %add3A_21 = arith.addf %add3A_19, %slice3A_20 : vector<16x218x218xf32>
    %slice3A_22 = vector.extract_strided_slice %transpose3A_14 {offsets = [0, 4, 0], sizes = [16, 218, 218], strides = [1, 1, 1]} : vector<16x224x218xf32> to vector<16x218x218xf32>
    %add3A_23 = arith.addf %add3A_21, %slice3A_22 : vector<16x218x218xf32>
    %slice3A_24 = vector.extract_strided_slice %transpose3A_14 {offsets = [0, 5, 0], sizes = [16, 218, 218], strides = [1, 1, 1]} : vector<16x224x218xf32> to vector<16x218x218xf32>
    %add3A_25 = arith.addf %add3A_23, %slice3A_24 : vector<16x218x218xf32>
    %slice3A_26 = vector.extract_strided_slice %transpose3A_14 {offsets = [0, 6, 0], sizes = [16, 218, 218], strides = [1, 1, 1]} : vector<16x224x218xf32> to vector<16x218x218xf32>
    %add3A_27 = arith.addf %add3A_25, %slice3A_26 : vector<16x218x218xf32>
    %reduce_min3A = arith.constant dense<0x7F800000> : vector<16xf32>
    %reduce_min3A_28 = vector.multi_reduction <minimumf>, %add3A_27, %reduce_min3A [1, 2] : vector<16x218x218xf32> to vector<16xf32>
    %swap3A = arith.constant 0 : index
    %swap3A_29 = arith.constant 0 : index
    %swap3A_30 = arith.constant 0 : index
    %swap3A_31 = vector.load %arg2[%swap3A, %swap3A_29, %swap3A_30] : memref<1x1x16xf32, #tpu.memory_space<vmem>>, vector<1x1x16xf32>
    %swap3A_32 = vector.shape_cast %swap3A_31 : vector<1x1x16xf32> to vector<16xf32>
    %swap3A_33 = vector.shape_cast %reduce_min3A_28 : vector<16xf32> to vector<1x1x16xf32>
    tpu.vector_store %arg2[%swap3A, %swap3A_29, %swap3A_30], %swap3A_33 {strides = array<i32>} : memref<1x1x16xf32, #tpu.memory_space<vmem>>, vector<1x1x16xf32>,
    return
  }
  func.func @transform_0(%arg0: i32) -> (i32, i32, i32) {
    %c0_i32 = arith.constant 0 : i32
    %c0_i32_0 = arith.constant 0 : i32
    %c0_i32_1 = arith.constant 0 : i32
    return %arg0, %c0_i32, %c0_i32_0 : i32, i32, i32
  }
  func.func @transform_1(%arg0: i32) -> (i32, i32, i32) {
    %c0_i32 = arith.constant 0 : i32
    %c0_i32_0 = arith.constant 0 : i32
    %c0_i32_1 = arith.constant 0 : i32
    return %arg0, %c0_i32, %c0_i32_0 : i32, i32, i32
  }
}

</mosaic_0001>

<sc_bundles>
// kernel: kernel.4.cloned.1.call-start
scs
__scs_entry_jumppad:
0x0: {  	(pc) =	sbr.rel $0x88, $3  }
0x1: {  	(tag) =	ssettag $0x0;
	lr =	simm.s32 $0x1  }
0x2: {  	[smem:$0x3FA0] =	sst lr;
	_ =	strace $0xD0000000  }
0x3: {  	_ = 	snop  }
0x4: {  	_ = 	snop  }
0x5: {  	_ = 	snop  }
0x6: {  	_ = 	snop  }
0x7: {  	_ = 	snop  }
__scs_overlays_trampoline_lowered:
0x8: {  	[smem:$0x3FAF] =	sst s0  }
0x9: {  	[smem:$0x3FB0] =	sst s1  }
0xa: {  	[smem:$0x3FB1] =	sst s2  }
0xb: {  	[smem:$0x3FB2] =	sst s3  }
0xc: {  	[smem:$0x3FB3] =	sst s4  }
0xd: {  	[smem:$0x3FB4] =	sst s5  }
0xe: {  	[smem:$0x3FB5] =	sst s6  }
0xf: {  	[smem:$0x3FB6] =	sst s7  }
0x10: {  	[smem:$0x3FB7] =	sst s8  }
0x11: {  	[smem:$0x3FB8] =	sst s9;
	s0 =	simm.s32 @!p0 $0x0  }
0x12: {  	s1 =	sld [smem:$0x3F9E];
	s0 =	simm.s32 @p0 $0x1  }
0x13: {  	[smem:$0x3FB9] =	sst s0;
	s0 =	simm.s32 @!p1 $0x0  }
0x14: {  	s2 =	sld [smem:$0x3F9D];
	s0 =	simm.s32 @p1 $0x1  }
0x15: {  	[smem:$0x3FBA] =	sst s0;
	s0 =	simm.s32 @!p2 $0x0  }
0x16: {  	s3 =	sld [smem:$0x3FDB];
	s0 =	simm.s32 @p2 $0x1  }
0x17: {  	s4 =	simm.s32 $0x1BF5;
	[smem:$0x3FBC] =	sst s0  }
0x18: {  	s0 =	sld [smem:$0x3F9F];
	_ =	swait.ge [sflag:s4], $0x0  }
0x19: {  	s7 =	sld [smem:$0x3FA0]  }
0x1a: {  	s8 =	sadd.s32 $0xFFFFE003, lr  }
0x1b: {  	s9 =	sadd.s32 $0xFFFFFEF7, lr;
	s5 =	simm.s32 $0xFFFFFFFF;
	p2 =	slt.u32 s8, $0xFFFFF086  }
0x1c: {  	p1 =	slt.u32 s9, $0xF7A;
	s5 =	simm.s32 @!p2 $0x0  }
0x1d: {  	s5 =	simm.s32 @p1 $0x1;
	p0 =	seq.s32 s7, s2  }
0x1e: {  	s7 =	smul.u32 @!p0 $0xF7A, s2;
	p2 =	seq.s32 @!p0 s5, $0x0  }
0x1f: {  	s9 =	smul.u32 $0xF7A, s1;
	s8 =	simm.s32 @!p0 $0x1BF5;
	p2 =	por !p2, p0  }
0x20: {  	[sflag:s8] =	ssyncset.s32 @!p0 $0xFFFFF086;
	s6 =	sadd.s32 @!p0 s3, s7;
	s7 =	simm.s32 @!p0 $0x108  }
0x21: {  	s3 =	sadd.s32 s3, s9;
	s6 =	sadd.s32 @!p0 $0x88, s6;
	s7 =	simm.s32 @p2 $0x1082  }
0x22: {  	[simem:s7], [sflag:s8] =	dma.local @!p0 [hbm:s6], $0xF7A  }
0x23: {  	s9 =	sor.u32 $0xD0000000, s2;
	s6 =	simm.s32 $0x108;
	_ =	swait.ge @!p0 [sflag:s8], $0x0  }
0x24: {  	s3 =	sadd.s32 $0x88, s3;
	s6 =	simm.s32 @!p1 $0x1082;
	[sflag:s4] =	ssyncset.s32 $0xFFFFF086  }
0x25: {  	[simem:s6], [sflag:s4] =	dma.local [hbm:s3], $0xF7A  }
0x26: {  	[smem:$0x3FA0] =	sst s1;
	(tag) =	ssettag s2;
	_ =	strace s9  }
0x27: {  	s1 =	sld [smem:$0x3FB0]  }
0x28: {  	s2 =	sld [smem:$0x3FB1]  }
0x29: {  	s4 =	sld [smem:$0x3FB3]  }
0x2a: {  	p0 =	seq.s32 s5, $0x0;
	s5 =	sld [smem:$0x3FB4]  }
0x2b: {  	s6 =	sld [smem:$0x3FB5]  }
0x2c: {  	s7 =	sld [smem:$0x3FB6]  }
0x2d: {  	s3 =	simm.s32 $0x108;
	s8 =	sld [smem:$0x3FB7]  }
0x2e: {  	s3 =	simm.s32 @!p0 $0x1082;
	s9 =	sld [smem:$0x3FB8]  }
0x2f: {  	lr =	sadd.s32 s0, s3;
	s0 =	sld [smem:$0x3FAF]  }
0x30: {  	s3 =	sld [smem:$0x3FB2]  }
0x31: {  	[smem:$0x3FBB] =	sst s10  }
0x32: {  	s10 =	sld [smem:$0x3FB9];
	_ =	sdelay $0x3  }
0x33: {  	p0 =	seq.s32 s10, $0x1;
	s10 =	sld [smem:$0x3FBB];
	_ =	sdelay $0x3  }
0x34: {  	[smem:$0x3FBB] =	sst s10  }
0x35: {  	s10 =	sld [smem:$0x3FBA];
	_ =	sdelay $0x3  }
0x36: {  	p1 =	seq.s32 s10, $0x1;
	s10 =	sld [smem:$0x3FBB];
	_ =	sdelay $0x3  }
0x37: {  	[smem:$0x3FBB] =	sst s10  }
0x38: {  	s10 =	sld [smem:$0x3FBC]  }
0x39: {  	_ = 	snop;
	(pc) =	sbr.ind lr, $3  }
0x3a: {  	_ = 	snop  }
0x3b: {  	_ = 	snop  }
0x3c: {  	p2 =	seq.s32 s10, $0x1;
	s10 =	sld [smem:$0x3FBB]  }
0x3d: {  	_ =	shalt  }
0x3e: {  	_ =	shalt  }
0x3f: {  	_ =	shalt  }
0x40: {  	_ =	shalt  }
0x41: {  	_ =	shalt  }
0x42: {  	_ =	shalt  }
0x43: {  	_ =	shalt  }
0x44: {  	_ =	shalt  }
0x45: {  	_ =	shalt  }
0x46: {  	_ =	shalt  }
0x47: {  	_ =	shalt  }
0x48: {  	_ =	shalt  }
0x49: {  	_ =	shalt  }
0x4a: {  	_ =	shalt  }
0x4b: {  	_ =	shalt  }
0x4c: {  	_ =	shalt  }
0x4d: {  	_ =	shalt  }
0x4e: {  	_ =	shalt  }
0x4f: {  	_ =	shalt  }
0x50: {  	_ =	shalt  }
0x51: {  	_ =	shalt  }
0x52: {  	_ =	shalt  }
0x53: {  	_ =	shalt  }
0x54: {  	_ =	shalt  }
0x55: {  	_ =	shalt  }
0x56: {  	_ =	shalt  }
0x57: {  	_ =	shalt  }
0x58: {  	_ =	shalt  }
0x59: {  	_ =	shalt  }
0x5a: {  	_ =	shalt  }
0x5b: {  	_ =	shalt  }
0x5c: {  	_ =	shalt  }
0x5d: {  	_ =	shalt  }
0x5e: {  	_ =	shalt  }
0x5f: {  	_ =	shalt  }
0x60: {  	_ =	shalt  }
0x61: {  	_ =	shalt  }
0x62: {  	_ =	shalt  }
0x63: {  	_ =	shalt  }
0x64: {  	_ =	shalt  }
0x65: {  	_ =	shalt  }
0x66: {  	_ =	shalt  }
0x67: {  	_ =	shalt  }
0x68: {  	_ =	shalt  }
0x69: {  	_ =	shalt  }
0x6a: {  	_ =	shalt  }
0x6b: {  	_ =	shalt  }
0x6c: {  	_ =	shalt  }
0x6d: {  	_ =	shalt  }
0x6e: {  	_ =	shalt  }
0x6f: {  	_ =	shalt  }
0x70: {  	_ =	shalt  }
0x71: {  	_ =	shalt  }
0x72: {  	_ =	shalt  }
0x73: {  	_ =	shalt  }
0x74: {  	_ =	shalt  }
0x75: {  	_ =	shalt  }
0x76: {  	_ =	shalt  }
0x77: {  	_ =	shalt  }
0x78: {  	_ =	shalt  }
0x79: {  	_ =	shalt  }
0x7a: {  	_ =	shalt  }
0x7b: {  	_ =	shalt  }
0x7c: {  	_ =	shalt  }
0x7d: {  	_ =	shalt  }
0x7e: {  	_ =	shalt  }
0x7f: {  	_ =	shalt  }
0x80: {  	_ =	shalt  }
0x81: {  	_ =	shalt  }
0x82: {  	_ =	shalt  }
0x83: {  	_ =	shalt  }
0x84: {  	_ =	shalt  }
0x85: {  	_ =	shalt  }
0x86: {  	_ =	shalt  }
0x87: {  	_ =	shalt  }
.Lfunc_end0:
.L_simem_size_0:
called_computation_lowered:
.L_overlay_start_0:
0x88: {  	s2 =	sld [smem:$0x3FD9]  }
0x89: {  	s3 =	sld [smem:$0x3FFE];
	_ =	sdelay $0x1  }
0x8a: {  	s1 =	srdreg.scid  }
0x8b: {  	s0 =	sand.u32 $0x1, s1  }
0x8c: {  	s14 =	sshll.u32 s0, $0xA;
	s2 =	sadd.s32 s3, s2  }
0x8d: {  	s2 =	sadd.s32 s2, s14  }
0x8e: {  	[smem:$0x3FC7] =	sst s2  }
0x8f: {  	_ = 	snop  }
0x90: {  	s2 =	sld [smem:$0x3FD0];
	_ =	sdelay $0x2  }
0x91: {  	s15 =	simm.s32 $0xA;
	s4 =	simm.s32 $0x10  }
0x92: {  	[smem:s4], [sflag:s15] =	dma.local [hbm:s2], $0x1  }
0x93: {  	_ =	swait.eq [sflag:s15], $0x1  }
0x94: {  	[sflag:s15] =	ssyncset.done $0x0  }
0x95: {  	[sflag:s15] =	ssyncadd.s32 $0xFFFFFFFF  }
0x96: {  	s16 =	sld [smem:$0x10];
	(tm) =	ssettm $0x1  }
0x97: {  	s17 =	sld [smem:$0x3FFB];
	_ =	sdelay $0x3  }
0x98: {  	_ =	strace s17  }
0x99: {  	s3 =	sld [smem:$0x3FFC];
	_ =	sdelay $0x3  }
0x9a: {  	_ =	strace s3  }
0x9b: {  	s3 =	sld [smem:$0x3FFD];
	_ =	sdelay $0x3  }
0x9c: {  	_ =	strace s3  }
0x9d: {  	_ =	strace $0x8FFFFFFF  }
0x9e: {  	s18 =	sld [smem:$0x3FDB];
	_ =	sdelay $0x1  }
0x9f: {  	s19 =	simm.s32 $_scs_section_size  }
0xa0: {  	s5 =	simm.s32 $_size__tile_overlayer_lowered;
	s6 =	simm.s32 $_tile_overlayer_lowered  }
0xa1: {  	s22 =	simm.s32 $0x1BFF;
	s21 =	sshll.u32 s6, $0x1;
	s3 =	sadd.s32 s19, s18  }
0xa2: {  	s7 =	simm.s32 $0x0;
	s20 =	sshll.u32 s5, $0x1;
	s5 =	sadd.s32 s21, s3  }
0xa3: {  	[timem:s7], [sflag:s22] =	dma.local [hbm:s5], s20  }
0xa4: {  	_ =	swait.ge [sflag:s22], s20  }
0xa5: {  	s4 =	ssub.s32 $0x0, s20;
	[sflag:s22] =	ssyncset.done $0x0  }
0xa6: {  	[sflag:s22] =	ssyncadd.s32 s4;
	_ =	sdelay $0x1  }
0xa7: {  	s23 =	simm.s32 $0x1B8B  }
0xa8: {  	_ =	swait.ge [sflag:s23], $0x1  }
0xa9: {  	[sflag:s23] =	ssyncset.done $0x0  }
0xaa: {  	s25 =	simm.s32 $0x1B8E;
	s24 =	sld [smem:$0x3FFE];
	[sflag:s23] =	ssyncadd.s32 $0xFFFFFFFF  }
0xab: {  	s26 =	simm.s32 $execute0_lowered;
	[smem:$0x3FD2] =	sst s25  }
0xac: {  	s5 =	sshll.u32 s26, $0x1;
	_ =	strace $0x80000046;
	[dreg:$0x1] =	wrdreg $0xFFFFFFFF  }
0xad: {  	s28 =	simm.s32 $_size_execute0_lowered;
	s3 =	sadd.s32 s3, s5;
	[dreg:$0x0] =	wrdreg $0x0  }
0xae: {  	s5 =	sshll.u32 s28, $0x1;
	[dreg:$0x2] =	wrdreg s3  }
0xaf: {  	[dreg:$0x3] =	wrdreg s5  }
0xb0: {  	[dreg:$0x4] =	wrdreg $0xC0  }
0xb1: {  	_ =	task [dreg:s7], $0x5FFFF  }
0xb2: {  	[dreg:$0x1] =	wrdreg $0xFFFFFFFF  }
0xb3: {  	[dreg:$0x0] =	wrdreg $0x60  }
0xb4: {  	[dreg:$0x2] =	wrdreg s24  }
0xb5: {  	[dreg:$0x3] =	wrdreg s16  }
0xb6: {  	[dreg:$0x4] =	wrdreg $0x9  }
0xb7: {  	_ =	task.clear_ibuf [dreg:s7], $0x5FFFF;
	_ =	strace $0x90000046  }
0xb8: {  	s29 =	simm.s32 $0x9;
	_ =	strace $0x80000048  }
0xb9: {  	_ =	swait.ge [sflag:s29], $0x1  }
0xba: {  	[sflag:s29] =	ssyncadd.s32 $0xFFFFFFFF  }
0xbb: {  	_ =	strace $0x90000048  }
0xbc: {  	_ =	sfence  }
0xbd: {  	s30 =	sld [smem:$0x0];
	_ =	sdelay $0x2  }
0xbe: {  	s31 =	sshll.u32 s1, $0xD;
	s1 =	sshrl.u32 s1, $0x2  }
0xbf: {  	s3 =	sand.u32 $0x4000, s31;
	s1 =	sadd.s32 s1, s30  }
0xc0: {  	s0 =	sor.u32 s3, s0;
	s1 =	sshll.u32 s1, $0x11  }
0xc1: {  	s0 =	sor.u32 s1, s0  }
0xc2: {  	s0 =	sadd.s32 $0x8F2B, s0  }
0xc3: {  	[sflag:s0] =	ssyncadd.remote.s32 $0x1  }
0xc4: {  	_ =	sfence.sel $0xFFFF  }
0xc5: {  	[dreg:$0x0] =	wrdreg $0xFFFFFFFF;
	(pc) =	sbr.abs _section_cstart, $3  }
0xc6: {  	[dreg:$0x1] =	wrdreg $0xFFFFFFFF  }
0xc7: {  	_ =	task.clear_ibuf [dreg:s7], $0x2FFFF;
	_ =	strace $0x9FFFFFFF  }
0xc8: {  	(tm) =	ssettm $0x7FFFFFFF  }
0xc9: {  	_ =	shalt  }
tec
execute0_lowered:
.L_overlay_start_1:
0x0: {  	(tag) =	ssettag $0x1  }
0x1: {  	s30 =	rddreg [dreg:$0x0]  }
0x2: {  	s4 =	rddreg [dreg:$0x1]  }
0x3: {  	s3 =	simm.s32 $0x0;
	s0 =	srdreg.scid;
	s1 =	stileid.u32  }
0x4: {  	[smem:$0x7FF] =	sst s3;
	s9 =	sand.u32 $0x1, s0;
	s24 =	sadd.s32 $0x800, s30  }
0x5: {  	s26 =	sadd.s32 $0x1000, s30;
	_ =	strace $0x80000047;
	[dreg:$0x11] =	wrdreg s24  }
0x6: {  	s23 =	sshll.u32 s1, $0x1;
	s28 =	sadd.s32 $0x1800, s30;
	[dreg:$0x12] =	wrdreg s26  }
0x7: {  	s29 =	sadd.s32 $0x2000, s30;
	s31 =	sadd.s32 $0x2800, s30;
	[dreg:$0x13] =	wrdreg s28  }
0x8: {  	s8 =	sadd.s32 $0x4800, s30;
	s10 =	sadd.s32 $0x5800, s30;
	[dreg:$0x14] =	wrdreg s29  }
0x9: {  	s5 =	ssub.s32 $0x2, s9;
	s0 =	sor.u32 s9, s23;
	[dreg:$0x15] =	wrdreg s31  }
0xa: {  	s15 =	sshll.u32 s9, $0x9;
	[dreg:$0x19] =	wrdreg s8;
	s9 =	sadd.s32 $0x5000, s30  }
0xb: {  	[dreg:$0x1b] =	wrdreg s10;
	s6 =	sshrl.u32 s5, $0x1;
	s7 =	sshll.u32 s0, $0x4  }
0xc: {  	s2 =	smul.u32 $0xC, s0;
	[dreg:$0x1a] =	wrdreg s9;
	s4 =	sadd.s32 s4, s7  }
0xd: {  	s0 =	ssub.s32 s5, s6;
	s5 =	sadd.s32 $0x3000, s30;
	[dreg:$0x3] =	wrdreg s4  }
0xe: {  	s1 =	sadd.s32 $0x498000, s30;
	s6 =	sadd.s32 $0x3800, s30;
	[dreg:$0x16] =	wrdreg s5  }
0xf: {  	s7 =	sadd.s32 $0x4000, s30;
	s25 =	sshrl.u32 s2, $0x3;
	[dreg:$0x17] =	wrdreg s6  }
0x10: {  	[dreg:$0x18] =	wrdreg s7;
	s18 =	sadd.s32 $0x4, s2;
	s23 =	sadd.s32 $0x6, s2  }
0x11: {  	s28 =	sadd.s32 $0x7, s2;
	s5 =	sadd.s32 $0x8, s2;
	s7 =	sadd.s32 $0x6800, s30  }
0x12: {  	s8 =	sadd.s32 $0x9, s2;
	s11 =	smul.u32 $0x62000, s25;
	s19 =	sshrl.u32 s18, $0x3  }
0x13: {  	s18 =	sshll.u32 s18, $0x7;
	s25 =	sshrl.u32 s23, $0x3;
	s26 =	sshll.u32 s23, $0x7  }
0x14: {  	s31 =	sshrl.u32 s28, $0x3;
	s4 =	sshll.u32 s28, $0x7;
	[dreg:$0x1d] =	wrdreg s7  }
0x15: {  	s9 =	sshrl.u32 s8, $0x3;
	s23 =	sadd.s32 $0x9000, s30;
	s28 =	sadd.s32 $0xB000, s30  }
0x16: {  	s18 =	sand.u32 $0x200, s18;
	[smem:$0x7F7] =	sst s23;
	s13 =	sor.u32 s15, s11  }
0x17: {  	[smem:$0x7FB] =	sst s28;
	s11 =	sadd.s32 $0x6000, s30;
	s16 =	sshrl.u32 s13, $0x3  }
0x18: {  	[dreg:$0x1c] =	wrdreg s11;
	s13 =	smul.u32 $0x62000, s19;
	s11 =	sadd.s32 $0xA, s2  }
0x19: {  	s20 =	sadd.s32 s1, s16;
	s16 =	sadd.s32 $0x5, s2;
	s2 =	sadd.s32 $0xB, s2  }
0x1a: {  	s17 =	sadd.s32 $0x10, s20;
	s12 =	sadd.s32 $0x20, s20;
	[dreg:$0xf] =	wrdreg s20  }
0x1b: {  	s14 =	sadd.s32 $0x30, s20;
	s21 =	sshrl.u32 s16, $0x3;
	[dreg:$0x4] =	wrdreg s17  }
0x1c: {  	s22 =	sshll.u32 s16, $0x7;
	s20 =	sshrl.u32 s5, $0x3;
	[dreg:$0x5] =	wrdreg s12  }
0x1d: {  	s16 =	sshrl.u32 s2, $0x3;
	s2 =	sshll.u32 s2, $0x7;
	[dreg:$0x6] =	wrdreg s14  }
0x1e: {  	s17 =	sor.u32 s18, s13;
	s18 =	smul.u32 $0x62000, s21;
	s19 =	sand.u32 $0x280, s22  }
0x1f: {  	s6 =	smul.u32 $0x62000, s20;
	s12 =	sshrl.u32 s11, $0x3;
	s14 =	sshll.u32 s11, $0x7  }
0x20: {  	s22 =	smul.u32 $0x62000, s16;
	s2 =	sand.u32 $0x380, s2;
	s20 =	sadd.s32 $0x8000, s30  }
0x21: {  	s17 =	sshrl.u32 s17, $0x3;
	s13 =	smul.u32 $0x62000, s12;
	[smem:$0x7F5] =	sst s20  }
0x22: {  	s17 =	sadd.s32 s1, s17;
	s24 =	sor.u32 s19, s18;
	s18 =	smul.u32 $0x62000, s25  }
0x23: {  	s19 =	sand.u32 $0x300, s26;
	s15 =	sor.u32 s15, s6;
	s2 =	sor.u32 s2, s22  }
0x24: {  	s22 =	sadd.s32 $0x8800, s30;
	s25 =	sadd.s32 $0xA000, s30;
	[dreg:$0x7] =	wrdreg s17  }
0x25: {  	s26 =	sadd.s32 $0xA800, s30;
	s17 =	sshrl.u32 s24, $0x3;
	[smem:$0x7F6] =	sst s22  }
0x26: {  	s15 =	sshrl.u32 s15, $0x3;
	s24 =	sadd.s32 $0x9800, s30;
	[smem:$0x7F9] =	sst s25  }
0x27: {  	[smem:$0x7FA] =	sst s26;
	s17 =	sadd.s32 s1, s17;
	s29 =	sor.u32 s19, s18  }
0x28: {  	s18 =	smul.u32 $0x62000, s31;
	s19 =	sand.u32 $0x380, s4;
	[smem:$0x7F8] =	sst s24  }
0x29: {  	s15 =	sadd.s32 s1, s15;
	s31 =	sadd.s32 $0xC000, s30;
	[dreg:$0x8] =	wrdreg s17  }
0x2a: {  	s17 =	sshrl.u32 s29, $0x3;
	[dreg:$0xb] =	wrdreg s15;
	s29 =	sadd.s32 $0xB800, s30  }
0x2b: {  	[smem:$0x7FD] =	sst s31;
	s21 =	sadd.s32 s1, s17;
	s18 =	sor.u32 s19, s18  }
0x2c: {  	s19 =	sshll.u32 s8, $0x7;
	[smem:$0x7FC] =	sst s29;
	s18 =	sshrl.u32 s18, $0x3  }
0x2d: {  	s17 =	sand.u32 $0x300, s14;
	[dreg:$0x9] =	wrdreg s21;
	s18 =	sadd.s32 s1, s18  }
0x2e: {  	s21 =	sor.u32 s17, s13;
	[dreg:$0xa] =	wrdreg s18;
	s18 =	smul.u32 $0x62000, s9  }
0x2f: {  	s10 =	sand.u32 $0x280, s19;
	s19 =	sadd.s32 $0x7800, s30;
	s21 =	sshrl.u32 s21, $0x3  }
0x30: {  	[dreg:$0x1f] =	wrdreg s19;
	s21 =	sadd.s32 s1, s21;
	s15 =	sor.u32 s10, s18  }
0x31: {  	[dreg:$0xd] =	wrdreg s21;
	s18 =	sadd.s32 $0x7000, s30;
	s15 =	sshrl.u32 s15, $0x3  }
0x32: {  	s2 =	sshrl.u32 s2, $0x3;
	[dreg:$0x1e] =	wrdreg s18;
	s15 =	sadd.s32 s1, s15  }
0x33: {  	v0 =	vimm.s32 $0x0;
	v1 =	vlaneseq.u32;
	s8 =	simm.s32 $0x1;
	s1 =	sadd.s32 s1, s2;
	[dreg:$0xc] =	wrdreg s15  }
0x34: {  	vm0 =	vmmov $0xffff;
	vm1 =	vmmov $0xff;
	v1 =	vmul.u32 $0x8, v1;
	[dreg:$0xe] =	wrdreg s1;
	s15 =	smax.u32 s0, $0x1;
	s1 =	simm.s32 $0x2  }
.LBB2_1:
0x35: {  	[dreg:$0x10] =	wrdreg s15  }
0x36: {  	s6 =	rddreg [dreg:$0x3];
	s7 =	simm.s32 $0x3  }
0x37: {  	[tilespmem:s3], [sflag:$0x3] =	stream.linear.gather [hbm4b:s6+s3], $0x80, $0x38;
	[tilespmem:$0x18880] =	vst v63  }
0x38: {  	_ =	swait.ge [sflag:s7], $0x80  }
0x39: {  	[sflag:s7] =	ssyncset.done $0x0  }
0x3a: {  	[sflag:s7] =	ssyncadd.s32 $0xFFFFFF80  }
0x3b: {  	v2 =	vld.msk [tilespmem:$0x0], $0x1;
	_ =	sdelay $0x4  }
0x3c: {  	v3 =	vshrl.u32 v2, $0x3  }
0x3d: {  	v3 =	vmul.u32 $0xC40, v3  }
0x3e: {  	v2 =	vand.u32 $0x7, v2  }
0x3f: {  	v2 =	vor.u32 v2, v3  }
0x40: {  	v2 =	vperm.xlane v2, v0;
	_ =	sdelay $0x1  }
0x41: {  	v2 =	vadd.s32 v1, v2;
	_ =	sdelay $0x2  }
0x42: {  	s2 =	rddreg [dreg:$0x11]  }
0x43: {  	s0 =	simm.s32 $0x80;
	s31 =	rddreg [dreg:$0x0]  }
0x44: {  	[tilespmem:s0], [sflag:$0x1] =	stream.indirect_vreg.gather [hbm4b:s31+s3], $0x80, v2, vm0, $0xb8;
	[tilespmem:$0x18880] =	vst v63  }
0x45: {  	s9 =	simm.s32 $0x880;
	s11 =	rddreg [dreg:$0x12]  }
0x46: {  	[tilespmem:s9], [sflag:$0x1] =	stream.indirect_vreg.gather [hbm4b:s2+s3], $0x80, v2, vm0, $0xb8;
	[tilespmem:$0x18880] =	vst v63  }
0x47: {  	s10 =	simm.s32 $0x1080;
	s13 =	rddreg [dreg:$0x13]  }
0x48: {  	[tilespmem:s10], [sflag:$0x1] =	stream.indirect_vreg.gather [hbm4b:s11+s3], $0x80, v2, vm0, $0xb8;
	[tilespmem:$0x18880] =	vst v63  }
0x49: {  	s12 =	simm.s32 $0x1880;
	s15 =	rddreg [dreg:$0x14]  }
0x4a: {  	[tilespmem:s12], [sflag:$0x1] =	stream.indirect_vreg.gather [hbm4b:s13+s3], $0x80, v2, vm0, $0xb8;
	[tilespmem:$0x18880] =	vst v63  }
0x4b: {  	s14 =	simm.s32 $0x2080;
	s25 =	rddreg [dreg:$0x1c]  }
0x4c: {  	[tilespmem:s14], [sflag:$0x1] =	stream.indirect_vreg.gather [hbm4b:s15+s3], $0x80, v2, vm0, $0xb8;
	[tilespmem:$0x18880] =	vst v63  }
0x4d: {  	s16 =	simm.s32 $0x2880;
	s9 =	rddreg [dreg:$0x15]  }
0x4e: {  	[tilespmem:s16], [sflag:$0x1] =	stream.indirect_vreg.gather [hbm4b:s9+s3], $0x80, v2, vm0, $0xb8;
	[tilespmem:$0x18880] =	vst v63  }
0x4f: {  	s18 =	simm.s32 $0x3080;
	s10 =	rddreg [dreg:$0x16]  }
0x50: {  	[tilespmem:s18], [sflag:$0x1] =	stream.indirect_vreg.gather [hbm4b:s10+s3], $0x80, v2, vm0, $0xb8;
	[tilespmem:$0x18880] =	vst v63  }
0x51: {  	s19 =	simm.s32 $0x3880;
	s17 =	smov.u32 s11;
	s11 =	rddreg [dreg:$0x17]  }
0x52: {  	[tilespmem:s19], [sflag:$0x1] =	stream.indirect_vreg.gather [hbm4b:s11+s3], $0x80, v2, vm0, $0xb8;
	[tilespmem:$0x18880] =	vst v63  }
0x53: {  	s20 =	simm.s32 $0x4080;
	s12 =	rddreg [dreg:$0x18]  }
0x54: {  	[tilespmem:s20], [sflag:$0x1] =	stream.indirect_vreg.gather [hbm4b:s12+s3], $0x80, v2, vm0, $0xb8;
	[tilespmem:$0x18880] =	vst v63  }
0x55: {  	s21 =	simm.s32 $0x4880;
	s6 =	smov.u32 s13;
	s13 =	rddreg [dreg:$0x19]  }
0x56: {  	[tilespmem:s21], [sflag:$0x1] =	stream.indirect_vreg.gather [hbm4b:s13+s3], $0x80, v2, vm0, $0xb8;
	[tilespmem:$0x18880] =	vst v63  }
0x57: {  	s22 =	simm.s32 $0x5080;
	s14 =	rddreg [dreg:$0x1a]  }
0x58: {  	[tilespmem:s22], [sflag:$0x1] =	stream.indirect_vreg.gather [hbm4b:s14+s3], $0x80, v2, vm0, $0xb8;
	[tilespmem:$0x18880] =	vst v63  }
0x59: {  	s23 =	simm.s32 $0x5880;
	s16 =	rddreg [dreg:$0x1b]  }
0x5a: {  	[tilespmem:s23], [sflag:$0x1] =	stream.indirect_vreg.gather [hbm4b:s16+s3], $0x80, v2, vm0, $0xb8;
	[tilespmem:$0x18880] =	vst v63  }
0x5b: {  	s24 =	simm.s32 $0x6080;
	s30 =	rddreg [dreg:$0x1f]  }
0x5c: {  	[tilespmem:s24], [sflag:$0x1] =	stream.indirect_vreg.gather [hbm4b:s25+s3], $0x80, v2, vm0, $0xb8;
	[tilespmem:$0x18880] =	vst v63  }
0x5d: {  	s26 =	simm.s32 $0x6880;
	s19 =	rddreg [dreg:$0x1d]  }
0x5e: {  	[tilespmem:s26], [sflag:$0x1] =	stream.indirect_vreg.gather [hbm4b:s19+s3], $0x80, v2, vm0, $0xb8;
	[tilespmem:$0x18880] =	vst v63  }
0x5f: {  	s28 =	simm.s32 $0x7080;
	s20 =	rddreg [dreg:$0x1e]  }
0x60: {  	[tilespmem:s28], [sflag:$0x1] =	stream.indirect_vreg.gather [hbm4b:s20+s3], $0x80, v2, vm0, $0xb8;
	[tilespmem:$0x18880] =	vst v63  }
0x61: {  	s29 =	simm.s32 $0x7880;
	s5 =	smov.u32 s2;
	s22 =	sld [smem:$0x7F5]  }
0x62: {  	[tilespmem:s29], [sflag:$0x1] =	stream.indirect_vreg.gather [hbm4b:s30+s3], $0x80, v2, vm0, $0xb8;
	[tilespmem:$0x18880] =	vst v63  }
0x63: {  	s7 =	smov.u32 s15;
	s2 =	simm.s32 $0x8080;
	s21 =	sld [smem:$0x7F6]  }
0x64: {  	[tilespmem:s2], [sflag:$0x1] =	stream.indirect_vreg.gather [hbm4b:s22+s3], $0x80, v2, vm0, $0xb8;
	[tilespmem:$0x18880] =	vst v63  }
0x65: {  	s4 =	smov.u32 s25;
	s15 =	simm.s32 $0x8880;
	s25 =	sld [smem:$0x7F7]  }
0x66: {  	[tilespmem:s15], [sflag:$0x1] =	stream.indirect_vreg.gather [hbm4b:s21+s3], $0x80, v2, vm0, $0xb8;
	[tilespmem:$0x18880] =	vst v63  }
0x67: {  	s18 =	simm.s32 $0x9080;
	s2 =	sld [smem:$0x7F8]  }
0x68: {  	[tilespmem:s18], [sflag:$0x1] =	stream.indirect_vreg.gather [hbm4b:s25+s3], $0x80, v2, vm0, $0xb8;
	[tilespmem:$0x18880] =	vst v63  }
0x69: {  	s24 =	simm.s32 $0x9880;
	s18 =	sld [smem:$0x7F9]  }
0x6a: {  	[tilespmem:s24], [sflag:$0x1] =	stream.indirect_vreg.gather [hbm4b:s2+s3], $0x80, v2, vm0, $0xb8;
	[tilespmem:$0x18880] =	vst v63  }
0x6b: {  	s23 =	smov.u32 s30;
	s26 =	simm.s32 $0xA080;
	s30 =	sld [smem:$0x7FA]  }
0x6c: {  	[tilespmem:s26], [sflag:$0x1] =	stream.indirect_vreg.gather [hbm4b:s18+s3], $0x80, v2, vm0, $0xb8;
	[tilespmem:$0x18880] =	vst v63  }
0x6d: {  	s28 =	simm.s32 $0xA880  }
0x6e: {  	[tilespmem:s28], [sflag:$0x1] =	stream.indirect_vreg.gather [hbm4b:s30+s3], $0x80, v2, vm0, $0xb8;
	[tilespmem:$0x18880] =	vst v63  }
0x6f: {  	s28 =	sld [smem:$0x7FB];
	_ =	sdelay $0x1  }
0x70: {  	s29 =	simm.s32 $0xB080;
	s24 =	sld [smem:$0x7FC]  }
0x71: {  	[tilespmem:s29], [sflag:$0x1] =	stream.indirect_vreg.gather [hbm4b:s28+s3], $0x80, v2, vm0, $0xb8;
	[tilespmem:$0x18880] =	vst v63  }
0x72: {  	s15 =	simm.s32 $0xB880;
	s29 =	sld [smem:$0x7FD]  }
0x73: {  	[tilespmem:s15], [sflag:$0x1] =	stream.indirect_vreg.gather [hbm4b:s24+s3], $0x80, v2, vm0, $0xb8;
	[tilespmem:$0x18880] =	vst v63  }
0x74: {  	s26 =	simm.s32 $0xC080  }
0x75: {  	[tilespmem:s26], [sflag:$0x1] =	stream.indirect_vreg.gather [hbm4b:s29+s3], $0x80, v2, vm1, $0xb8;
	[tilespmem:$0x18880] =	vst v63  }
0x76: {  	_ =	swait.ge [sflag:s8], $0xC400  }
0x77: {  	[sflag:s8] =	ssyncset.done $0x0  }
0x78: {  	[sflag:s8] =	ssyncadd.s32 $0xFFFF3C00  }
0x79: {  	v2 =	vld.msk [tilespmem:$0x8], $0x1;
	_ =	sdelay $0x4  }
0x7a: {  	v3 =	vshrl.u32 v2, $0x3  }
0x7b: {  	v3 =	vmul.u32 $0xC40, v3  }
0x7c: {  	v2 =	vand.u32 $0x7, v2  }
0x7d: {  	v2 =	vor.u32 v2, v3  }
0x7e: {  	v2 =	vperm.xlane v2, v0;
	_ =	sdelay $0x1  }
0x7f: {  	v2 =	vadd.s32 v1, v2;
	_ =	sdelay $0x3  }
0x80: {  	s0 =	simm.s32 $0xC480  }
0x81: {  	[tilespmem:s0], [sflag:$0x1] =	stream.indirect_vreg.gather [hbm4b:s31+s3], $0x80, v2, vm0, $0xb8;
	[tilespmem:$0x18880] =	vst v63  }
0x82: {  	s15 =	simm.s32 $0xCC80  }
0x83: {  	[tilespmem:s15], [sflag:$0x1] =	stream.indirect_vreg.gather [hbm4b:s5+s3], $0x80, v2, vm0, $0xb8;
	[tilespmem:$0x18880] =	vst v63  }
0x84: {  	s24 =	simm.s32 $0xD480  }
0x85: {  	[tilespmem:s24], [sflag:$0x1] =	stream.indirect_vreg.gather [hbm4b:s17+s3], $0x80, v2, vm0, $0xb8;
	[tilespmem:$0x18880] =	vst v63  }
0x86: {  	s26 =	simm.s32 $0xDC80  }
0x87: {  	[tilespmem:s26], [sflag:$0x1] =	stream.indirect_vreg.gather [hbm4b:s6+s3], $0x80, v2, vm0, $0xb8;
	[tilespmem:$0x18880] =	vst v63  }
0x88: {  	s5 =	simm.s32 $0xE480  }
0x89: {  	[tilespmem:s5], [sflag:$0x1] =	stream.indirect_vreg.gather [hbm4b:s7+s3], $0x80, v2, vm0, $0xb8;
	[tilespmem:$0x18880] =	vst v63  }
0x8a: {  	s15 =	simm.s32 $0xEC80  }
0x8b: {  	[tilespmem:s15], [sflag:$0x1] =	stream.indirect_vreg.gather [hbm4b:s9+s3], $0x80, v2, vm0, $0xb8;
	[tilespmem:$0x18880] =	vst v63  }
0x8c: {  	s17 =	simm.s32 $0xF480  }
0x8d: {  	[tilespmem:s17], [sflag:$0x1] =	stream.indirect_vreg.gather [hbm4b:s10+s3], $0x80, v2, vm0, $0xb8;
	[tilespmem:$0x18880] =	vst v63  }
0x8e: {  	s24 =	simm.s32 $0xFC80  }
0x8f: {  	[tilespmem:s24], [sflag:$0x1] =	stream.indirect_vreg.gather [hbm4b:s11+s3], $0x80, v2, vm0, $0xb8;
	[tilespmem:$0x18880] =	vst v63  }
0x90: {  	s26 =	simm.s32 $0x10480  }
0x91: {  	[tilespmem:s26], [sflag:$0x1] =	stream.indirect_vreg.gather [hbm4b:s12+s3], $0x80, v2, vm0, $0xb8;
	[tilespmem:$0x18880] =	vst v63  }
0x92: {  	s5 =	simm.s32 $0x10C80  }
0x93: {  	[tilespmem:s5], [sflag:$0x1] =	stream.indirect_vreg.gather [hbm4b:s13+s3], $0x80, v2, vm0, $0xb8;
	[tilespmem:$0x18880] =	vst v63  }
0x94: {  	s7 =	simm.s32 $0x11480  }
0x95: {  	[tilespmem:s7], [sflag:$0x1] =	stream.indirect_vreg.gather [hbm4b:s14+s3], $0x80, v2, vm0, $0xb8;
	[tilespmem:$0x18880] =	vst v63  }
0x96: {  	s15 =	simm.s32 $0x11C80  }
0x97: {  	[tilespmem:s15], [sflag:$0x1] =	stream.indirect_vreg.gather [hbm4b:s16+s3], $0x80, v2, vm0, $0xb8;
	[tilespmem:$0x18880] =	vst v63  }
0x98: {  	s17 =	simm.s32 $0x12480  }
0x99: {  	[tilespmem:s17], [sflag:$0x1] =	stream.indirect_vreg.gather [hbm4b:s4+s3], $0x80, v2, vm0, $0xb8;
	[tilespmem:$0x18880] =	vst v63  }
0x9a: {  	s24 =	simm.s32 $0x12C80  }
0x9b: {  	[tilespmem:s24], [sflag:$0x1] =	stream.indirect_vreg.gather [hbm4b:s19+s3], $0x80, v2, vm0, $0xb8;
	[tilespmem:$0x18880] =	vst v63  }
0x9c: {  	s26 =	simm.s32 $0x13480  }
0x9d: {  	[tilespmem:s26], [sflag:$0x1] =	stream.indirect_vreg.gather [hbm4b:s20+s3], $0x80, v2, vm0, $0xb8;
	[tilespmem:$0x18880] =	vst v63  }
0x9e: {  	s17 =	smov.u32 s4;
	s4 =	simm.s32 $0x13C80  }
0x9f: {  	[tilespmem:s4], [sflag:$0x1] =	stream.indirect_vreg.gather [hbm4b:s23+s3], $0x80, v2, vm0, $0xb8;
	[tilespmem:$0x18880] =	vst v63  }
0xa0: {  	s5 =	simm.s32 $0x14480  }
0xa1: {  	[tilespmem:s5], [sflag:$0x1] =	stream.indirect_vreg.gather [hbm4b:s22+s3], $0x80, v2, vm0, $0xb8;
	[tilespmem:$0x18880] =	vst v63  }
0xa2: {  	s7 =	simm.s32 $0x14C80  }
0xa3: {  	[tilespmem:s7], [sflag:$0x1] =	stream.indirect_vreg.gather [hbm4b:s21+s3], $0x80, v2, vm0, $0xb8;
	[tilespmem:$0x18880] =	vst v63  }
0xa4: {  	s15 =	simm.s32 $0x15480  }
0xa5: {  	[tilespmem:s15], [sflag:$0x1] =	stream.indirect_vreg.gather [hbm4b:s25+s3], $0x80, v2, vm0, $0xb8;
	[tilespmem:$0x18880] =	vst v63  }
0xa6: {  	s5 =	smov.u32 s21;
	s21 =	simm.s32 $0x15C80  }
0xa7: {  	[tilespmem:s21], [sflag:$0x1] =	stream.indirect_vreg.gather [hbm4b:s2+s3], $0x80, v2, vm0, $0xb8;
	[tilespmem:$0x18880] =	vst v63  }
0xa8: {  	s24 =	smov.u32 s23;
	s23 =	smov.u32 s25;
	s25 =	simm.s32 $0x16480  }
0xa9: {  	[tilespmem:s25], [sflag:$0x1] =	stream.indirect_vreg.gather [hbm4b:s18+s3], $0x80, v2, vm0, $0xb8;
	[tilespmem:$0x18880] =	vst v63  }
0xaa: {  	s26 =	simm.s32 $0x16C80  }
0xab: {  	[tilespmem:s26], [sflag:$0x1] =	stream.indirect_vreg.gather [hbm4b:s30+s3], $0x80, v2, vm0, $0xb8;
	[tilespmem:$0x18880] =	vst v63  }
0xac: {  	s4 =	simm.s32 $0x17480  }
0xad: {  	[tilespmem:s4], [sflag:$0x1] =	stream.indirect_vreg.gather [hbm4b:s28+s3], $0x80, v2, vm0, $0xb8;
	[tilespmem:$0x18880] =	vst v63  }
0xae: {  	s21 =	smov.u32 s28;
	s28 =	sld [smem:$0x7FC];
	_ =	sdelay $0x1  }
0xaf: {  	s7 =	simm.s32 $0x17C80  }
0xb0: {  	[tilespmem:s7], [sflag:$0x1] =	stream.indirect_vreg.gather [hbm4b:s28+s3], $0x80, v2, vm0, $0xb8;
	[tilespmem:$0x18880] =	vst v63  }
0xb1: {  	s15 =	simm.s32 $0x18480;
	s18 =	rddreg [dreg:$0xf]  }
0xb2: {  	[tilespmem:s15], [sflag:$0x1] =	stream.indirect_vreg.gather [hbm4b:s29+s3], $0x80, v2, vm1, $0xb8;
	[tilespmem:$0x18880] =	vst v63  }
0xb3: {  	s25 =	simm.s32 $0x400;
	s26 =	smov.u32 s29;
	s29 =	simm.s32 $0x80  }
0xb4: {  	[hbm4b:s18+s29] =	stream.strided.scatter [tilespmem:s29], [sflag:$0x2], $0xC400, s25, s29, $0x38;
	[tilespmem:$0x18880] =	vst v63  }
0xb5: {  	_ =	swait.ge [sflag:s8], $0xC400  }
0xb6: {  	[sflag:s8] =	ssyncset.done $0x0  }
0xb7: {  	[sflag:s8] =	ssyncadd.s32 $0xFFFF3C00  }
0xb8: {  	_ =	swait.ge [sflag:s1], $0xC400  }
0xb9: {  	[sflag:s1] =	ssyncset.done $0x0  }
0xba: {  	[sflag:s1] =	ssyncadd.s32 $0xFFFF3C00  }
0xbb: {  	v2 =	vld.msk [tilespmem:$0x10], $0x1;
	_ =	sdelay $0x4  }
0xbc: {  	v3 =	vshrl.u32 v2, $0x3  }
0xbd: {  	v3 =	vmul.u32 $0xC40, v3  }
0xbe: {  	v2 =	vand.u32 $0x7, v2  }
0xbf: {  	v2 =	vor.u32 v2, v3  }
0xc0: {  	v2 =	vperm.xlane v2, v0;
	_ =	sdelay $0x1  }
0xc1: {  	v2 =	vadd.s32 v1, v2;
	_ =	sdelay $0x4  }
0xc2: {  	[tilespmem:s29], [sflag:$0x1] =	stream.indirect_vreg.gather [hbm4b:s31+s3], $0x80, v2, vm0, $0xb8;
	[tilespmem:$0x18880] =	vst v63  }
0xc3: {  	s4 =	simm.s32 $0x880;
	s7 =	rddreg [dreg:$0x11]  }
0xc4: {  	[tilespmem:s4], [sflag:$0x1] =	stream.indirect_vreg.gather [hbm4b:s7+s3], $0x80, v2, vm0, $0xb8;
	[tilespmem:$0x18880] =	vst v63  }
0xc5: {  	s15 =	simm.s32 $0x1080;
	s29 =	rddreg [dreg:$0x12]  }
0xc6: {  	[tilespmem:s15], [sflag:$0x1] =	stream.indirect_vreg.gather [hbm4b:s29+s3], $0x80, v2, vm0, $0xb8;
	[tilespmem:$0x18880] =	vst v63  }
0xc7: {  	s18 =	simm.s32 $0x1880  }
0xc8: {  	[tilespmem:s18], [sflag:$0x1] =	stream.indirect_vreg.gather [hbm4b:s6+s3], $0x80, v2, vm0, $0xb8;
	[tilespmem:$0x18880] =	vst v63  }
0xc9: {  	s25 =	simm.s32 $0x2080;
	s18 =	rddreg [dreg:$0x14]  }
0xca: {  	[tilespmem:s25], [sflag:$0x1] =	stream.indirect_vreg.gather [hbm4b:s18+s3], $0x80, v2, vm0, $0xb8;
	[tilespmem:$0x18880] =	vst v63  }
0xcb: {  	s4 =	smov.u32 s6;
	s6 =	simm.s32 $0x2880  }
0xcc: {  	[tilespmem:s6], [sflag:$0x1] =	stream.indirect_vreg.gather [hbm4b:s9+s3], $0x80, v2, vm0, $0xb8;
	[tilespmem:$0x18880] =	vst v63  }
0xcd: {  	s15 =	simm.s32 $0x3080  }
0xce: {  	[tilespmem:s15], [sflag:$0x1] =	stream.indirect_vreg.gather [hbm4b:s10+s3], $0x80, v2, vm0, $0xb8;
	[tilespmem:$0x18880] =	vst v63  }
0xcf: {  	s25 =	simm.s32 $0x3880  }
0xd0: {  	[tilespmem:s25], [sflag:$0x1] =	stream.indirect_vreg.gather [hbm4b:s11+s3], $0x80, v2, vm0, $0xb8;
	[tilespmem:$0x18880] =	vst v63  }
0xd1: {  	s6 =	simm.s32 $0x4080  }
0xd2: {  	[tilespmem:s6], [sflag:$0x1] =	stream.indirect_vreg.gather [hbm4b:s12+s3], $0x80, v2, vm0, $0xb8;
	[tilespmem:$0x18880] =	vst v63  }
0xd3: {  	s15 =	simm.s32 $0x4880  }
0xd4: {  	[tilespmem:s15], [sflag:$0x1] =	stream.indirect_vreg.gather [hbm4b:s13+s3], $0x80, v2, vm0, $0xb8;
	[tilespmem:$0x18880] =	vst v63  }
0xd5: {  	s25 =	simm.s32 $0x5080  }
0xd6: {  	[tilespmem:s25], [sflag:$0x1] =	stream.indirect_vreg.gather [hbm4b:s14+s3], $0x80, v2, vm0, $0xb8;
	[tilespmem:$0x18880] =	vst v63  }
0xd7: {  	s6 =	simm.s32 $0x5880  }
0xd8: {  	[tilespmem:s6], [sflag:$0x1] =	stream.indirect_vreg.gather [hbm4b:s16+s3], $0x80, v2, vm0, $0xb8;
	[tilespmem:$0x18880] =	vst v63  }
0xd9: {  	s15 =	simm.s32 $0x6080  }
0xda: {  	[tilespmem:s15], [sflag:$0x1] =	stream.indirect_vreg.gather [hbm4b:s17+s3], $0x80, v2, vm0, $0xb8;
	[tilespmem:$0x18880] =	vst v63  }
0xdb: {  	s25 =	simm.s32 $0x6880  }
0xdc: {  	[tilespmem:s25], [sflag:$0x1] =	stream.indirect_vreg.gather [hbm4b:s19+s3], $0x80, v2, vm0, $0xb8;
	[tilespmem:$0x18880] =	vst v63  }
0xdd: {  	s6 =	simm.s32 $0x7080  }
0xde: {  	[tilespmem:s6], [sflag:$0x1] =	stream.indirect_vreg.gather [hbm4b:s20+s3], $0x80, v2, vm0, $0xb8;
	[tilespmem:$0x18880] =	vst v63  }
0xdf: {  	s15 =	simm.s32 $0x7880  }
0xe0: {  	[tilespmem:s15], [sflag:$0x1] =	stream.indirect_vreg.gather [hbm4b:s24+s3], $0x80, v2, vm0, $0xb8;
	[tilespmem:$0x18880] =	vst v63  }
0xe1: {  	s6 =	smov.u32 s24;
	s24 =	simm.s32 $0x8080  }
0xe2: {  	[tilespmem:s24], [sflag:$0x1] =	stream.indirect_vreg.gather [hbm4b:s22+s3], $0x80, v2, vm0, $0xb8;
	[tilespmem:$0x18880] =	vst v63  }
0xe3: {  	s25 =	simm.s32 $0x8880  }
0xe4: {  	[tilespmem:s25], [sflag:$0x1] =	stream.indirect_vreg.gather [hbm4b:s5+s3], $0x80, v2, vm0, $0xb8;
	[tilespmem:$0x18880] =	vst v63  }
0xe5: {  	s15 =	simm.s32 $0x9080  }
0xe6: {  	[tilespmem:s15], [sflag:$0x1] =	stream.indirect_vreg.gather [hbm4b:s23+s3], $0x80, v2, vm0, $0xb8;
	[tilespmem:$0x18880] =	vst v63  }
0xe7: {  	s24 =	simm.s32 $0x9880;
	s5 =	sld [smem:$0x7F9]  }
0xe8: {  	[tilespmem:s24], [sflag:$0x1] =	stream.indirect_vreg.gather [hbm4b:s2+s3], $0x80, v2, vm0, $0xb8;
	[tilespmem:$0x18880] =	vst v63  }
0xe9: {  	s25 =	simm.s32 $0xA080  }
0xea: {  	[tilespmem:s25], [sflag:$0x1] =	stream.indirect_vreg.gather [hbm4b:s5+s3], $0x80, v2, vm0, $0xb8;
	[tilespmem:$0x18880] =	vst v63  }
0xeb: {  	s24 =	smov.u32 s2;
	s2 =	simm.s32 $0xA880  }
0xec: {  	[tilespmem:s2], [sflag:$0x1] =	stream.indirect_vreg.gather [hbm4b:s30+s3], $0x80, v2, vm0, $0xb8;
	[tilespmem:$0x18880] =	vst v63  }
0xed: {  	s15 =	simm.s32 $0xB080  }
0xee: {  	[tilespmem:s15], [sflag:$0x1] =	stream.indirect_vreg.gather [hbm4b:s21+s3], $0x80, v2, vm0, $0xb8;
	[tilespmem:$0x18880] =	vst v63  }
0xef: {  	s2 =	smov.u32 s21;
	s21 =	simm.s32 $0xB880  }
0xf0: {  	[tilespmem:s21], [sflag:$0x1] =	stream.indirect_vreg.gather [hbm4b:s28+s3], $0x80, v2, vm0, $0xb8;
	[tilespmem:$0x18880] =	vst v63  }
0xf1: {  	s0 =	simm.s32 $0xC480;
	s25 =	simm.s32 $0xC080  }
0xf2: {  	[tilespmem:s25], [sflag:$0x1] =	stream.indirect_vreg.gather [hbm4b:s26+s3], $0x80, v2, vm1, $0xb8;
	[tilespmem:$0x18880] =	vst v63  }
0xf3: {  	s15 =	rddreg [dreg:$0x4];
	s21 =	simm.s32 $0x80;
	s25 =	simm.s32 $0x400  }
0xf4: {  	[hbm4b:s15+s21] =	stream.strided.scatter [tilespmem:s0], [sflag:$0x2], $0xC400, s25, s21, $0x38;
	[tilespmem:$0x18880] =	vst v63  }
0xf5: {  	_ =	swait.ge [sflag:s8], $0xC400  }
0xf6: {  	[sflag:s8] =	ssyncset.done $0x0  }
0xf7: {  	[sflag:s8] =	ssyncadd.s32 $0xFFFF3C00  }
0xf8: {  	_ =	swait.ge [sflag:s1], $0xC400  }
0xf9: {  	[sflag:s1] =	ssyncset.done $0x0  }
0xfa: {  	[sflag:s1] =	ssyncadd.s32 $0xFFFF3C00  }
0xfb: {  	v2 =	vld.msk [tilespmem:$0x18], $0x1;
	_ =	sdelay $0x4  }
0xfc: {  	v3 =	vshrl.u32 v2, $0x3  }
0xfd: {  	v3 =	vmul.u32 $0xC40, v3  }
0xfe: {  	v2 =	vand.u32 $0x7, v2  }
0xff: {  	v2 =	vor.u32 v2, v3  }
0x100: {  	v2 =	vperm.xlane v2, v0;
	_ =	sdelay $0x1  }
0x101: {  	v2 =	vadd.s32 v1, v2;
	_ =	sdelay $0x4  }
0x102: {  	[tilespmem:s0], [sflag:$0x1] =	stream.indirect_vreg.gather [hbm4b:s31+s3], $0x80, v2, vm0, $0xb8;
	[tilespmem:$0x18880] =	vst v63  }
0x103: {  	s21 =	simm.s32 $0xCC80  }
0x104: {  	[tilespmem:s21], [sflag:$0x1] =	stream.indirect_vreg.gather [hbm4b:s7+s3], $0x80, v2, vm0, $0xb8;
	[tilespmem:$0x18880] =	vst v63  }
0x105: {  	s25 =	simm.s32 $0xD480  }
0x106: {  	[tilespmem:s25], [sflag:$0x1] =	stream.indirect_vreg.gather [hbm4b:s29+s3], $0x80, v2, vm0, $0xb8;
	[tilespmem:$0x18880] =	vst v63  }
0x107: {  	s7 =	simm.s32 $0xDC80  }
0x108: {  	[tilespmem:s7], [sflag:$0x1] =	stream.indirect_vreg.gather [hbm4b:s4+s3], $0x80, v2, vm0, $0xb8;
	[tilespmem:$0x18880] =	vst v63  }
0x109: {  	s15 =	simm.s32 $0xE480  }
0x10a: {  	[tilespmem:s15], [sflag:$0x1] =	stream.indirect_vreg.gather [hbm4b:s18+s3], $0x80, v2, vm0, $0xb8;
	[tilespmem:$0x18880] =	vst v63  }
0x10b: {  	s21 =	simm.s32 $0xEC80  }
0x10c: {  	[tilespmem:s21], [sflag:$0x1] =	stream.indirect_vreg.gather [hbm4b:s9+s3], $0x80, v2, vm0, $0xb8;
	[tilespmem:$0x18880] =	vst v63  }
0x10d: {  	s25 =	simm.s32 $0xF480  }
0x10e: {  	[tilespmem:s25], [sflag:$0x1] =	stream.indirect_vreg.gather [hbm4b:s10+s3], $0x80, v2, vm0, $0xb8;
	[tilespmem:$0x18880] =	vst v63  }
0x10f: {  	s29 =	simm.s32 $0xFC80  }
0x110: {  	[tilespmem:s29], [sflag:$0x1] =	stream.indirect_vreg.gather [hbm4b:s11+s3], $0x80, v2, vm0, $0xb8;
	[tilespmem:$0x18880] =	vst v63  }
0x111: {  	s4 =	simm.s32 $0x10480  }
0x112: {  	[tilespmem:s4], [sflag:$0x1] =	stream.indirect_vreg.gather [hbm4b:s12+s3], $0x80, v2, vm0, $0xb8;
	[tilespmem:$0x18880] =	vst v63  }
0x113: {  	s15 =	simm.s32 $0x10C80  }
0x114: {  	[tilespmem:s15], [sflag:$0x1] =	stream.indirect_vreg.gather [hbm4b:s13+s3], $0x80, v2, vm0, $0xb8;
	[tilespmem:$0x18880] =	vst v63  }
0x115: {  	s7 =	smov.u32 s18;
	s18 =	simm.s32 $0x11480  }
0x116: {  	[tilespmem:s18], [sflag:$0x1] =	stream.indirect_vreg.gather [hbm4b:s14+s3], $0x80, v2, vm0, $0xb8;
	[tilespmem:$0x18880] =	vst v63  }
0x117: {  	s21 =	simm.s32 $0x11C80  }
0x118: {  	[tilespmem:s21], [sflag:$0x1] =	stream.indirect_vreg.gather [hbm4b:s16+s3], $0x80, v2, vm0, $0xb8;
	[tilespmem:$0x18880] =	vst v63  }
0x119: {  	s25 =	simm.s32 $0x12480  }
0x11a: {  	[tilespmem:s25], [sflag:$0x1] =	stream.indirect_vreg.gather [hbm4b:s17+s3], $0x80, v2, vm0, $0xb8;
	[tilespmem:$0x18880] =	vst v63  }
0x11b: {  	s29 =	simm.s32 $0x12C80  }
0x11c: {  	[tilespmem:s29], [sflag:$0x1] =	stream.indirect_vreg.gather [hbm4b:s19+s3], $0x80, v2, vm0, $0xb8;
	[tilespmem:$0x18880] =	vst v63  }
0x11d: {  	s4 =	simm.s32 $0x13480  }
0x11e: {  	[tilespmem:s4], [sflag:$0x1] =	stream.indirect_vreg.gather [hbm4b:s20+s3], $0x80, v2, vm0, $0xb8;
	[tilespmem:$0x18880] =	vst v63  }
0x11f: {  	s15 =	simm.s32 $0x13C80  }
0x120: {  	[tilespmem:s15], [sflag:$0x1] =	stream.indirect_vreg.gather [hbm4b:s6+s3], $0x80, v2, vm0, $0xb8;
	[tilespmem:$0x18880] =	vst v63  }
0x121: {  	s18 =	simm.s32 $0x14480  }
0x122: {  	[tilespmem:s18], [sflag:$0x1] =	stream.indirect_vreg.gather [hbm4b:s22+s3], $0x80, v2, vm0, $0xb8;
	[tilespmem:$0x18880] =	vst v63  }
0x123: {  	s21 =	smov.u32 s22;
	s22 =	sld [smem:$0x7F6];
	_ =	sdelay $0x1  }
0x124: {  	s25 =	simm.s32 $0x14C80  }
0x125: {  	[tilespmem:s25], [sflag:$0x1] =	stream.indirect_vreg.gather [hbm4b:s22+s3], $0x80, v2, vm0, $0xb8;
	[tilespmem:$0x18880] =	vst v63  }
0x126: {  	s4 =	simm.s32 $0x15480  }
0x127: {  	[tilespmem:s4], [sflag:$0x1] =	stream.indirect_vreg.gather [hbm4b:s23+s3], $0x80, v2, vm0, $0xb8;
	[tilespmem:$0x18880] =	vst v63  }
0x128: {  	s29 =	smov.u32 s6;
	s6 =	simm.s32 $0x15C80  }
0x129: {  	[tilespmem:s6], [sflag:$0x1] =	stream.indirect_vreg.gather [hbm4b:s24+s3], $0x80, v2, vm0, $0xb8;
	[tilespmem:$0x18880] =	vst v63  }
0x12a: {  	s15 =	simm.s32 $0x16480  }
0x12b: {  	[tilespmem:s15], [sflag:$0x1] =	stream.indirect_vreg.gather [hbm4b:s5+s3], $0x80, v2, vm0, $0xb8;
	[tilespmem:$0x18880] =	vst v63  }
0x12c: {  	s25 =	simm.s32 $0x16C80  }
0x12d: {  	[tilespmem:s25], [sflag:$0x1] =	stream.indirect_vreg.gather [hbm4b:s30+s3], $0x80, v2, vm0, $0xb8;
	[tilespmem:$0x18880] =	vst v63  }
0x12e: {  	s4 =	simm.s32 $0x17480  }
0x12f: {  	[tilespmem:s4], [sflag:$0x1] =	stream.indirect_vreg.gather [hbm4b:s2+s3], $0x80, v2, vm0, $0xb8;
	[tilespmem:$0x18880] =	vst v63  }
0x130: {  	s18 =	smov.u32 s5;
	s5 =	simm.s32 $0x17C80  }
0x131: {  	[tilespmem:s5], [sflag:$0x1] =	stream.indirect_vreg.gather [hbm4b:s28+s3], $0x80, v2, vm0, $0xb8;
	[tilespmem:$0x18880] =	vst v63  }
0x132: {  	s0 =	simm.s32 $0x400;
	s25 =	simm.s32 $0x18480  }
0x133: {  	[tilespmem:s25], [sflag:$0x1] =	stream.indirect_vreg.gather [hbm4b:s26+s3], $0x80, v2, vm1, $0xb8;
	[tilespmem:$0x18880] =	vst v63  }
0x134: {  	s6 =	rddreg [dreg:$0x5];
	s4 =	smov.u32 s28;
	s28 =	simm.s32 $0x80  }
0x135: {  	[hbm4b:s6+s28] =	stream.strided.scatter [tilespmem:s28], [sflag:$0x2], $0xC400, s0, s28, $0x38;
	[tilespmem:$0x18880] =	vst v63  }
0x136: {  	_ =	swait.ge [sflag:s8], $0xC400  }
0x137: {  	[sflag:s8] =	ssyncset.done $0x0  }
0x138: {  	[sflag:s8] =	ssyncadd.s32 $0xFFFF3C00  }
0x139: {  	_ =	swait.ge [sflag:s1], $0xC400  }
0x13a: {  	[sflag:s1] =	ssyncset.done $0x0  }
0x13b: {  	[sflag:s1] =	ssyncadd.s32 $0xFFFF3C00  }
0x13c: {  	v2 =	vld.msk [tilespmem:$0x20], $0x1;
	_ =	sdelay $0x4  }
0x13d: {  	v3 =	vshrl.u32 v2, $0x3  }
0x13e: {  	v3 =	vmul.u32 $0xC40, v3  }
0x13f: {  	v2 =	vand.u32 $0x7, v2  }
0x140: {  	v2 =	vor.u32 v2, v3  }
0x141: {  	v2 =	vperm.xlane v2, v0;
	_ =	sdelay $0x1  }
0x142: {  	v2 =	vadd.s32 v1, v2;
	_ =	sdelay $0x4  }
0x143: {  	[tilespmem:s28], [sflag:$0x1] =	stream.indirect_vreg.gather [hbm4b:s31+s3], $0x80, v2, vm0, $0xb8;
	[tilespmem:$0x18880] =	vst v63  }
0x144: {  	s25 =	smov.u32 s31;
	s5 =	rddreg [dreg:$0x11];
	s31 =	simm.s32 $0x880  }
0x145: {  	[tilespmem:s31], [sflag:$0x1] =	stream.indirect_vreg.gather [hbm4b:s5+s3], $0x80, v2, vm0, $0xb8;
	[tilespmem:$0x18880] =	vst v63  }
0x146: {  	s6 =	simm.s32 $0x1080;
	s2 =	rddreg [dreg:$0x12]  }
0x147: {  	[tilespmem:s6], [sflag:$0x1] =	stream.indirect_vreg.gather [hbm4b:s2+s3], $0x80, v2, vm0, $0xb8;
	[tilespmem:$0x18880] =	vst v63  }
0x148: {  	s26 =	simm.s32 $0x1880;
	s6 =	rddreg [dreg:$0x13]  }
0x149: {  	[tilespmem:s26], [sflag:$0x1] =	stream.indirect_vreg.gather [hbm4b:s6+s3], $0x80, v2, vm0, $0xb8;
	[tilespmem:$0x18880] =	vst v63  }
0x14a: {  	s28 =	simm.s32 $0x2080  }
0x14b: {  	[tilespmem:s28], [sflag:$0x1] =	stream.indirect_vreg.gather [hbm4b:s7+s3], $0x80, v2, vm0, $0xb8;
	[tilespmem:$0x18880] =	vst v63  }
0x14c: {  	s31 =	simm.s32 $0x2880  }
0x14d: {  	[tilespmem:s31], [sflag:$0x1] =	stream.indirect_vreg.gather [hbm4b:s9+s3], $0x80, v2, vm0, $0xb8;
	[tilespmem:$0x18880] =	vst v63  }
0x14e: {  	s26 =	simm.s32 $0x3080  }
0x14f: {  	[tilespmem:s26], [sflag:$0x1] =	stream.indirect_vreg.gather [hbm4b:s10+s3], $0x80, v2, vm0, $0xb8;
	[tilespmem:$0x18880] =	vst v63  }
0x150: {  	s28 =	simm.s32 $0x3880  }
0x151: {  	[tilespmem:s28], [sflag:$0x1] =	stream.indirect_vreg.gather [hbm4b:s11+s3], $0x80, v2, vm0, $0xb8;
	[tilespmem:$0x18880] =	vst v63  }
0x152: {  	s31 =	simm.s32 $0x4080  }
0x153: {  	[tilespmem:s31], [sflag:$0x1] =	stream.indirect_vreg.gather [hbm4b:s12+s3], $0x80, v2, vm0, $0xb8;
	[tilespmem:$0x18880] =	vst v63  }
0x154: {  	s26 =	simm.s32 $0x4880  }
0x155: {  	[tilespmem:s26], [sflag:$0x1] =	stream.indirect_vreg.gather [hbm4b:s13+s3], $0x80, v2, vm0, $0xb8;
	[tilespmem:$0x18880] =	vst v63  }
0x156: {  	s28 =	simm.s32 $0x5080  }
0x157: {  	[tilespmem:s28], [sflag:$0x1] =	stream.indirect_vreg.gather [hbm4b:s14+s3], $0x80, v2, vm0, $0xb8;
	[tilespmem:$0x18880] =	vst v63  }
0x158: {  	s31 =	simm.s32 $0x5880  }
0x159: {  	[tilespmem:s31], [sflag:$0x1] =	stream.indirect_vreg.gather [hbm4b:s16+s3], $0x80, v2, vm0, $0xb8;
	[tilespmem:$0x18880] =	vst v63  }
0x15a: {  	s26 =	simm.s32 $0x6080  }
0x15b: {  	[tilespmem:s26], [sflag:$0x1] =	stream.indirect_vreg.gather [hbm4b:s17+s3], $0x80, v2, vm0, $0xb8;
	[tilespmem:$0x18880] =	vst v63  }
0x15c: {  	s28 =	simm.s32 $0x6880  }
0x15d: {  	[tilespmem:s28], [sflag:$0x1] =	stream.indirect_vreg.gather [hbm4b:s19+s3], $0x80, v2, vm0, $0xb8;
	[tilespmem:$0x18880] =	vst v63  }
0x15e: {  	s31 =	simm.s32 $0x7080  }
0x15f: {  	[tilespmem:s31], [sflag:$0x1] =	stream.indirect_vreg.gather [hbm4b:s20+s3], $0x80, v2, vm0, $0xb8;
	[tilespmem:$0x18880] =	vst v63  }
0x160: {  	s17 =	simm.s32 $0x7880  }
0x161: {  	[tilespmem:s17], [sflag:$0x1] =	stream.indirect_vreg.gather [hbm4b:s29+s3], $0x80, v2, vm0, $0xb8;
	[tilespmem:$0x18880] =	vst v63  }
0x162: {  	s19 =	simm.s32 $0x8080  }
0x163: {  	[tilespmem:s19], [sflag:$0x1] =	stream.indirect_vreg.gather [hbm4b:s21+s3], $0x80, v2, vm0, $0xb8;
	[tilespmem:$0x18880] =	vst v63  }
0x164: {  	s26 =	simm.s32 $0x8880  }
0x165: {  	[tilespmem:s26], [sflag:$0x1] =	stream.indirect_vreg.gather [hbm4b:s22+s3], $0x80, v2, vm0, $0xb8;
	[tilespmem:$0x18880] =	vst v63  }
0x166: {  	s28 =	simm.s32 $0x9080  }
0x167: {  	[tilespmem:s28], [sflag:$0x1] =	stream.indirect_vreg.gather [hbm4b:s23+s3], $0x80, v2, vm0, $0xb8;
	[tilespmem:$0x18880] =	vst v63  }
0x168: {  	s31 =	simm.s32 $0x9880  }
0x169: {  	[tilespmem:s31], [sflag:$0x1] =	stream.indirect_vreg.gather [hbm4b:s24+s3], $0x80, v2, vm0, $0xb8;
	[tilespmem:$0x18880] =	vst v63  }
0x16a: {  	s17 =	simm.s32 $0xA080  }
0x16b: {  	[tilespmem:s17], [sflag:$0x1] =	stream.indirect_vreg.gather [hbm4b:s18+s3], $0x80, v2, vm0, $0xb8;
	[tilespmem:$0x18880] =	vst v63  }
0x16c: {  	s19 =	smov.u32 s24;
	s24 =	simm.s32 $0xA880  }
0x16d: {  	[tilespmem:s24], [sflag:$0x1] =	stream.indirect_vreg.gather [hbm4b:s30+s3], $0x80, v2, vm0, $0xb8;
	[tilespmem:$0x18880] =	vst v63  }
0x16e: {  	s28 =	smov.u32 s30;
	s30 =	sld [smem:$0x7FB];
	_ =	sdelay $0x1  }
0x16f: {  	s26 =	simm.s32 $0xB080  }
0x170: {  	[tilespmem:s26], [sflag:$0x1] =	stream.indirect_vreg.gather [hbm4b:s30+s3], $0x80, v2, vm0, $0xb8;
	[tilespmem:$0x18880] =	vst v63  }
0x171: {  	s31 =	simm.s32 $0xB880;
	s17 =	sld [smem:$0x7FD]  }
0x172: {  	[tilespmem:s31], [sflag:$0x1] =	stream.indirect_vreg.gather [hbm4b:s4+s3], $0x80, v2, vm0, $0xb8;
	[tilespmem:$0x18880] =	vst v63  }
0x173: {  	s26 =	smov.u32 s4;
	s4 =	simm.s32 $0xC080  }
0x174: {  	[tilespmem:s4], [sflag:$0x1] =	stream.indirect_vreg.gather [hbm4b:s17+s3], $0x80, v2, vm1, $0xb8;
	[tilespmem:$0x18880] =	vst v63  }
0x175: {  	s15 =	rddreg [dreg:$0x6];
	s24 =	simm.s32 $0xC480;
	s4 =	simm.s32 $0x80  }
0x176: {  	[hbm4b:s15+s4] =	stream.strided.scatter [tilespmem:s24], [sflag:$0x2], $0xC400, s0, s4, $0x38;
	[tilespmem:$0x18880] =	vst v63  }
0x177: {  	_ =	swait.ge [sflag:s8], $0xC400  }
0x178: {  	[sflag:s8] =	ssyncset.done $0x0  }
0x179: {  	[sflag:s8] =	ssyncadd.s32 $0xFFFF3C00  }
0x17a: {  	_ =	swait.ge [sflag:s1], $0xC400  }
0x17b: {  	[sflag:s1] =	ssyncset.done $0x0  }
0x17c: {  	[sflag:s1] =	ssyncadd.s32 $0xFFFF3C00  }
0x17d: {  	v2 =	vld.msk [tilespmem:$0x28], $0x1;
	_ =	sdelay $0x4  }
0x17e: {  	v3 =	vshrl.u32 v2, $0x3  }
0x17f: {  	v3 =	vmul.u32 $0xC40, v3  }
0x180: {  	v2 =	vand.u32 $0x7, v2  }
0x181: {  	v2 =	vor.u32 v2, v3  }
0x182: {  	v2 =	vperm.xlane v2, v0;
	_ =	sdelay $0x1  }
0x183: {  	v2 =	vadd.s32 v1, v2;
	_ =	sdelay $0x4  }
0x184: {  	[tilespmem:s24], [sflag:$0x1] =	stream.indirect_vreg.gather [hbm4b:s25+s3], $0x80, v2, vm0, $0xb8;
	[tilespmem:$0x18880] =	vst v63  }
0x185: {  	s18 =	simm.s32 $0xCC80  }
0x186: {  	[tilespmem:s18], [sflag:$0x1] =	stream.indirect_vreg.gather [hbm4b:s5+s3], $0x80, v2, vm0, $0xb8;
	[tilespmem:$0x18880] =	vst v63  }
0x187: {  	s24 =	simm.s32 $0xD480  }
0x188: {  	[tilespmem:s24], [sflag:$0x1] =	stream.indirect_vreg.gather [hbm4b:s2+s3], $0x80, v2, vm0, $0xb8;
	[tilespmem:$0x18880] =	vst v63  }
0x189: {  	s25 =	simm.s32 $0xDC80  }
0x18a: {  	[tilespmem:s25], [sflag:$0x1] =	stream.indirect_vreg.gather [hbm4b:s6+s3], $0x80, v2, vm0, $0xb8;
	[tilespmem:$0x18880] =	vst v63  }
0x18b: {  	s31 =	simm.s32 $0xE480  }
0x18c: {  	[tilespmem:s31], [sflag:$0x1] =	stream.indirect_vreg.gather [hbm4b:s7+s3], $0x80, v2, vm0, $0xb8;
	[tilespmem:$0x18880] =	vst v63  }
0x18d: {  	s4 =	simm.s32 $0xEC80  }
0x18e: {  	[tilespmem:s4], [sflag:$0x1] =	stream.indirect_vreg.gather [hbm4b:s9+s3], $0x80, v2, vm0, $0xb8;
	[tilespmem:$0x18880] =	vst v63  }
0x18f: {  	s15 =	simm.s32 $0xF480  }
0x190: {  	[tilespmem:s15], [sflag:$0x1] =	stream.indirect_vreg.gather [hbm4b:s10+s3], $0x80, v2, vm0, $0xb8;
	[tilespmem:$0x18880] =	vst v63  }
0x191: {  	s18 =	simm.s32 $0xFC80  }
0x192: {  	[tilespmem:s18], [sflag:$0x1] =	stream.indirect_vreg.gather [hbm4b:s11+s3], $0x80, v2, vm0, $0xb8;
	[tilespmem:$0x18880] =	vst v63  }
0x193: {  	s25 =	simm.s32 $0x10480  }
0x194: {  	[tilespmem:s25], [sflag:$0x1] =	stream.indirect_vreg.gather [hbm4b:s12+s3], $0x80, v2, vm0, $0xb8;
	[tilespmem:$0x18880] =	vst v63  }
0x195: {  	s31 =	simm.s32 $0x10C80  }
0x196: {  	[tilespmem:s31], [sflag:$0x1] =	stream.indirect_vreg.gather [hbm4b:s13+s3], $0x80, v2, vm0, $0xb8;
	[tilespmem:$0x18880] =	vst v63  }
0x197: {  	s4 =	simm.s32 $0x11480  }
0x198: {  	[tilespmem:s4], [sflag:$0x1] =	stream.indirect_vreg.gather [hbm4b:s14+s3], $0x80, v2, vm0, $0xb8;
	[tilespmem:$0x18880] =	vst v63  }
0x199: {  	s15 =	simm.s32 $0x11C80  }
0x19a: {  	[tilespmem:s15], [sflag:$0x1] =	stream.indirect_vreg.gather [hbm4b:s16+s3], $0x80, v2, vm0, $0xb8;
	[tilespmem:$0x18880] =	vst v63  }
0x19b: {  	s18 =	simm.s32 $0x12480;
	s4 =	rddreg [dreg:$0x1c]  }
0x19c: {  	[tilespmem:s18], [sflag:$0x1] =	stream.indirect_vreg.gather [hbm4b:s4+s3], $0x80, v2, vm0, $0xb8;
	[tilespmem:$0x18880] =	vst v63  }
0x19d: {  	s0 =	rddreg [dreg:$0x1d];
	s25 =	simm.s32 $0x12C80  }
0x19e: {  	[tilespmem:s25], [sflag:$0x1] =	stream.indirect_vreg.gather [hbm4b:s0+s3], $0x80, v2, vm0, $0xb8;
	[tilespmem:$0x18880] =	vst v63  }
0x19f: {  	s31 =	simm.s32 $0x13480  }
0x1a0: {  	[tilespmem:s31], [sflag:$0x1] =	stream.indirect_vreg.gather [hbm4b:s20+s3], $0x80, v2, vm0, $0xb8;
	[tilespmem:$0x18880] =	vst v63  }
0x1a1: {  	s18 =	smov.u32 s20;
	s20 =	simm.s32 $0x13C80  }
0x1a2: {  	[tilespmem:s20], [sflag:$0x1] =	stream.indirect_vreg.gather [hbm4b:s29+s3], $0x80, v2, vm0, $0xb8;
	[tilespmem:$0x18880] =	vst v63  }
0x1a3: {  	s25 =	simm.s32 $0x14480  }
0x1a4: {  	[tilespmem:s25], [sflag:$0x1] =	stream.indirect_vreg.gather [hbm4b:s21+s3], $0x80, v2, vm0, $0xb8;
	[tilespmem:$0x18880] =	vst v63  }
0x1a5: {  	s20 =	smov.u32 s29;
	s29 =	simm.s32 $0x14C80  }
0x1a6: {  	[tilespmem:s29], [sflag:$0x1] =	stream.indirect_vreg.gather [hbm4b:s22+s3], $0x80, v2, vm0, $0xb8;
	[tilespmem:$0x18880] =	vst v63  }
0x1a7: {  	s31 =	simm.s32 $0x15480  }
0x1a8: {  	[tilespmem:s31], [sflag:$0x1] =	stream.indirect_vreg.gather [hbm4b:s23+s3], $0x80, v2, vm0, $0xb8;
	[tilespmem:$0x18880] =	vst v63  }
0x1a9: {  	s25 =	simm.s32 $0x15C80  }
0x1aa: {  	[tilespmem:s25], [sflag:$0x1] =	stream.indirect_vreg.gather [hbm4b:s19+s3], $0x80, v2, vm0, $0xb8;
	[tilespmem:$0x18880] =	vst v63  }
0x1ab: {  	s25 =	sld [smem:$0x7F9];
	_ =	sdelay $0x1  }
0x1ac: {  	s29 =	simm.s32 $0x16480  }
0x1ad: {  	[tilespmem:s29], [sflag:$0x1] =	stream.indirect_vreg.gather [hbm4b:s25+s3], $0x80, v2, vm0, $0xb8;
	[tilespmem:$0x18880] =	vst v63  }
0x1ae: {  	s31 =	simm.s32 $0x16C80  }
0x1af: {  	[tilespmem:s31], [sflag:$0x1] =	stream.indirect_vreg.gather [hbm4b:s28+s3], $0x80, v2, vm0, $0xb8;
	[tilespmem:$0x18880] =	vst v63  }
0x1b0: {  	s19 =	simm.s32 $0x17480  }
0x1b1: {  	[tilespmem:s19], [sflag:$0x1] =	stream.indirect_vreg.gather [hbm4b:s30+s3], $0x80, v2, vm0, $0xb8;
	[tilespmem:$0x18880] =	vst v63  }
0x1b2: {  	s15 =	rddreg [dreg:$0x7];
	s31 =	simm.s32 $0x17C80  }
0x1b3: {  	[tilespmem:s31], [sflag:$0x1] =	stream.indirect_vreg.gather [hbm4b:s26+s3], $0x80, v2, vm0, $0xb8;
	[tilespmem:$0x18880] =	vst v63  }
0x1b4: {  	s29 =	smov.u32 s30;
	s19 =	simm.s32 $0x18480;
	s31 =	smov.u32 s17  }
0x1b5: {  	[tilespmem:s19], [sflag:$0x1] =	stream.indirect_vreg.gather [hbm4b:s31+s3], $0x80, v2, vm1, $0xb8;
	[tilespmem:$0x18880] =	vst v63  }
0x1b6: {  	s30 =	smov.u32 s26;
	s17 =	simm.s32 $0x80;
	s26 =	simm.s32 $0x400  }
0x1b7: {  	[hbm4b:s15+s17] =	stream.strided.scatter [tilespmem:s17], [sflag:$0x2], $0xC400, s26, s17, $0x38;
	[tilespmem:$0x18880] =	vst v63  }
0x1b8: {  	_ =	swait.ge [sflag:s8], $0xC400  }
0x1b9: {  	[sflag:s8] =	ssyncset.done $0x0  }
0x1ba: {  	[sflag:s8] =	ssyncadd.s32 $0xFFFF3C00  }
0x1bb: {  	_ =	swait.ge [sflag:s1], $0xC400  }
0x1bc: {  	[sflag:s1] =	ssyncset.done $0x0  }
0x1bd: {  	[sflag:s1] =	ssyncadd.s32 $0xFFFF3C00  }
0x1be: {  	v2 =	vld.msk [tilespmem:$0x30], $0x1;
	_ =	sdelay $0x4  }
0x1bf: {  	v3 =	vshrl.u32 v2, $0x3  }
0x1c0: {  	v3 =	vmul.u32 $0xC40, v3  }
0x1c1: {  	v2 =	vand.u32 $0x7, v2  }
0x1c2: {  	v2 =	vor.u32 v2, v3  }
0x1c3: {  	v2 =	vperm.xlane v2, v0;
	_ =	sdelay $0x1  }
0x1c4: {  	v2 =	vadd.s32 v1, v2;
	_ =	sdelay $0x3  }
0x1c5: {  	s26 =	rddreg [dreg:$0x0]  }
0x1c6: {  	[tilespmem:s17], [sflag:$0x1] =	stream.indirect_vreg.gather [hbm4b:s26+s3], $0x80, v2, vm0, $0xb8;
	[tilespmem:$0x18880] =	vst v63  }
0x1c7: {  	s19 =	simm.s32 $0x880  }
0x1c8: {  	[tilespmem:s19], [sflag:$0x1] =	stream.indirect_vreg.gather [hbm4b:s5+s3], $0x80, v2, vm0, $0xb8;
	[tilespmem:$0x18880] =	vst v63  }
0x1c9: {  	s24 =	smov.u32 s2;
	s26 =	simm.s32 $0x1080  }
0x1ca: {  	[tilespmem:s26], [sflag:$0x1] =	stream.indirect_vreg.gather [hbm4b:s24+s3], $0x80, v2, vm0, $0xb8;
	[tilespmem:$0x18880] =	vst v63  }
0x1cb: {  	s19 =	simm.s32 $0x1880  }
0x1cc: {  	[tilespmem:s19], [sflag:$0x1] =	stream.indirect_vreg.gather [hbm4b:s6+s3], $0x80, v2, vm0, $0xb8;
	[tilespmem:$0x18880] =	vst v63  }
0x1cd: {  	s24 =	simm.s32 $0x2080  }
0x1ce: {  	[tilespmem:s24], [sflag:$0x1] =	stream.indirect_vreg.gather [hbm4b:s7+s3], $0x80, v2, vm0, $0xb8;
	[tilespmem:$0x18880] =	vst v63  }
0x1cf: {  	s26 =	simm.s32 $0x2880  }
0x1d0: {  	[tilespmem:s26], [sflag:$0x1] =	stream.indirect_vreg.gather [hbm4b:s9+s3], $0x80, v2, vm0, $0xb8;
	[tilespmem:$0x18880] =	vst v63  }
0x1d1: {  	s2 =	smov.u32 s6;
	s6 =	smov.u32 s7;
	s7 =	simm.s32 $0x3080  }
0x1d2: {  	[tilespmem:s7], [sflag:$0x1] =	stream.indirect_vreg.gather [hbm4b:s10+s3], $0x80, v2, vm0, $0xb8;
	[tilespmem:$0x18880] =	vst v63  }
0x1d3: {  	s19 =	simm.s32 $0x3880  }
0x1d4: {  	[tilespmem:s19], [sflag:$0x1] =	stream.indirect_vreg.gather [hbm4b:s11+s3], $0x80, v2, vm0, $0xb8;
	[tilespmem:$0x18880] =	vst v63  }
0x1d5: {  	s24 =	simm.s32 $0x4080  }
0x1d6: {  	[tilespmem:s24], [sflag:$0x1] =	stream.indirect_vreg.gather [hbm4b:s12+s3], $0x80, v2, vm0, $0xb8;
	[tilespmem:$0x18880] =	vst v63  }
0x1d7: {  	s26 =	simm.s32 $0x4880  }
0x1d8: {  	[tilespmem:s26], [sflag:$0x1] =	stream.indirect_vreg.gather [hbm4b:s13+s3], $0x80, v2, vm0, $0xb8;
	[tilespmem:$0x18880] =	vst v63  }
0x1d9: {  	s7 =	simm.s32 $0x5080  }
0x1da: {  	[tilespmem:s7], [sflag:$0x1] =	stream.indirect_vreg.gather [hbm4b:s14+s3], $0x80, v2, vm0, $0xb8;
	[tilespmem:$0x18880] =	vst v63  }
0x1db: {  	s19 =	simm.s32 $0x5880  }
0x1dc: {  	[tilespmem:s19], [sflag:$0x1] =	stream.indirect_vreg.gather [hbm4b:s16+s3], $0x80, v2, vm0, $0xb8;
	[tilespmem:$0x18880] =	vst v63  }
0x1dd: {  	s24 =	simm.s32 $0x6080  }
0x1de: {  	[tilespmem:s24], [sflag:$0x1] =	stream.indirect_vreg.gather [hbm4b:s4+s3], $0x80, v2, vm0, $0xb8;
	[tilespmem:$0x18880] =	vst v63  }
0x1df: {  	s26 =	simm.s32 $0x6880  }
0x1e0: {  	[tilespmem:s26], [sflag:$0x1] =	stream.indirect_vreg.gather [hbm4b:s0+s3], $0x80, v2, vm0, $0xb8;
	[tilespmem:$0x18880] =	vst v63  }
0x1e1: {  	s7 =	simm.s32 $0x7080  }
0x1e2: {  	[tilespmem:s7], [sflag:$0x1] =	stream.indirect_vreg.gather [hbm4b:s18+s3], $0x80, v2, vm0, $0xb8;
	[tilespmem:$0x18880] =	vst v63  }
0x1e3: {  	s19 =	smov.u32 s18;
	s18 =	simm.s32 $0x7880  }
0x1e4: {  	[tilespmem:s18], [sflag:$0x1] =	stream.indirect_vreg.gather [hbm4b:s20+s3], $0x80, v2, vm0, $0xb8;
	[tilespmem:$0x18880] =	vst v63  }
0x1e5: {  	s24 =	simm.s32 $0x8080  }
0x1e6: {  	[tilespmem:s24], [sflag:$0x1] =	stream.indirect_vreg.gather [hbm4b:s21+s3], $0x80, v2, vm0, $0xb8;
	[tilespmem:$0x18880] =	vst v63  }
0x1e7: {  	s26 =	smov.u32 s0;
	s0 =	simm.s32 $0x8880  }
0x1e8: {  	[tilespmem:s0], [sflag:$0x1] =	stream.indirect_vreg.gather [hbm4b:s22+s3], $0x80, v2, vm0, $0xb8;
	[tilespmem:$0x18880] =	vst v63  }
0x1e9: {  	s7 =	simm.s32 $0x9080;
	s24 =	sld [smem:$0x7F8]  }
0x1ea: {  	[tilespmem:s7], [sflag:$0x1] =	stream.indirect_vreg.gather [hbm4b:s23+s3], $0x80, v2, vm0, $0xb8;
	[tilespmem:$0x18880] =	vst v63  }
0x1eb: {  	s18 =	simm.s32 $0x9880  }
0x1ec: {  	[tilespmem:s18], [sflag:$0x1] =	stream.indirect_vreg.gather [hbm4b:s24+s3], $0x80, v2, vm0, $0xb8;
	[tilespmem:$0x18880] =	vst v63  }
0x1ed: {  	s0 =	simm.s32 $0xA080  }
0x1ee: {  	[tilespmem:s0], [sflag:$0x1] =	stream.indirect_vreg.gather [hbm4b:s25+s3], $0x80, v2, vm0, $0xb8;
	[tilespmem:$0x18880] =	vst v63  }
0x1ef: {  	s7 =	simm.s32 $0xA880  }
0x1f0: {  	[tilespmem:s7], [sflag:$0x1] =	stream.indirect_vreg.gather [hbm4b:s28+s3], $0x80, v2, vm0, $0xb8;
	[tilespmem:$0x18880] =	vst v63  }
0x1f1: {  	s18 =	simm.s32 $0xB080  }
0x1f2: {  	[tilespmem:s18], [sflag:$0x1] =	stream.indirect_vreg.gather [hbm4b:s29+s3], $0x80, v2, vm0, $0xb8;
	[tilespmem:$0x18880] =	vst v63  }
0x1f3: {  	s0 =	simm.s32 $0xB880  }
0x1f4: {  	[tilespmem:s0], [sflag:$0x1] =	stream.indirect_vreg.gather [hbm4b:s30+s3], $0x80, v2, vm0, $0xb8;
	[tilespmem:$0x18880] =	vst v63  }
0x1f5: {  	s15 =	rddreg [dreg:$0x8];
	s7 =	simm.s32 $0xC080  }
0x1f6: {  	[tilespmem:s7], [sflag:$0x1] =	stream.indirect_vreg.gather [hbm4b:s31+s3], $0x80, v2, vm1, $0xb8;
	[tilespmem:$0x18880] =	vst v63  }
0x1f7: {  	s0 =	simm.s32 $0x400;
	s7 =	smov.u32 s31;
	s31 =	simm.s32 $0xC480  }
0x1f8: {  	[hbm4b:s15+s17] =	stream.strided.scatter [tilespmem:s31], [sflag:$0x2], $0xC400, s0, s17, $0x38;
	[tilespmem:$0x18880] =	vst v63  }
0x1f9: {  	_ =	swait.ge [sflag:s8], $0xC400  }
0x1fa: {  	[sflag:s8] =	ssyncset.done $0x0  }
0x1fb: {  	[sflag:s8] =	ssyncadd.s32 $0xFFFF3C00  }
0x1fc: {  	_ =	swait.ge [sflag:s1], $0xC400  }
0x1fd: {  	[sflag:s1] =	ssyncset.done $0x0  }
0x1fe: {  	[sflag:s1] =	ssyncadd.s32 $0xFFFF3C00  }
0x1ff: {  	v2 =	vld.msk [tilespmem:$0x38], $0x1;
	_ =	sdelay $0x4  }
0x200: {  	v3 =	vshrl.u32 v2, $0x3  }
0x201: {  	v3 =	vmul.u32 $0xC40, v3  }
0x202: {  	v2 =	vand.u32 $0x7, v2  }
0x203: {  	v2 =	vor.u32 v2, v3  }
0x204: {  	v2 =	vperm.xlane v2, v0;
	_ =	sdelay $0x1  }
0x205: {  	v2 =	vadd.s32 v1, v2;
	_ =	sdelay $0x3  }
0x206: {  	s17 =	rddreg [dreg:$0x0]  }
0x207: {  	[tilespmem:s31], [sflag:$0x1] =	stream.indirect_vreg.gather [hbm4b:s17+s3], $0x80, v2, vm0, $0xb8;
	[tilespmem:$0x18880] =	vst v63  }
0x208: {  	s18 =	simm.s32 $0xCC80  }
0x209: {  	[tilespmem:s18], [sflag:$0x1] =	stream.indirect_vreg.gather [hbm4b:s5+s3], $0x80, v2, vm0, $0xb8;
	[tilespmem:$0x18880] =	vst v63  }
0x20a: {  	s0 =	rddreg [dreg:$0x12];
	s31 =	simm.s32 $0xD480  }
0x20b: {  	[tilespmem:s31], [sflag:$0x1] =	stream.indirect_vreg.gather [hbm4b:s0+s3], $0x80, v2, vm0, $0xb8;
	[tilespmem:$0x18880] =	vst v63  }
0x20c: {  	s18 =	simm.s32 $0xDC80  }
0x20d: {  	[tilespmem:s18], [sflag:$0x1] =	stream.indirect_vreg.gather [hbm4b:s2+s3], $0x80, v2, vm0, $0xb8;
	[tilespmem:$0x18880] =	vst v63  }
0x20e: {  	s31 =	simm.s32 $0xE480  }
0x20f: {  	[tilespmem:s31], [sflag:$0x1] =	stream.indirect_vreg.gather [hbm4b:s6+s3], $0x80, v2, vm0, $0xb8;
	[tilespmem:$0x18880] =	vst v63  }
0x210: {  	s18 =	simm.s32 $0xEC80  }
0x211: {  	[tilespmem:s18], [sflag:$0x1] =	stream.indirect_vreg.gather [hbm4b:s9+s3], $0x80, v2, vm0, $0xb8;
	[tilespmem:$0x18880] =	vst v63  }
0x212: {  	s31 =	simm.s32 $0xF480  }
0x213: {  	[tilespmem:s31], [sflag:$0x1] =	stream.indirect_vreg.gather [hbm4b:s10+s3], $0x80, v2, vm0, $0xb8;
	[tilespmem:$0x18880] =	vst v63  }
0x214: {  	s18 =	simm.s32 $0xFC80  }
0x215: {  	[tilespmem:s18], [sflag:$0x1] =	stream.indirect_vreg.gather [hbm4b:s11+s3], $0x80, v2, vm0, $0xb8;
	[tilespmem:$0x18880] =	vst v63  }
0x216: {  	s31 =	simm.s32 $0x10480  }
0x217: {  	[tilespmem:s31], [sflag:$0x1] =	stream.indirect_vreg.gather [hbm4b:s12+s3], $0x80, v2, vm0, $0xb8;
	[tilespmem:$0x18880] =	vst v63  }
0x218: {  	s18 =	simm.s32 $0x10C80  }
0x219: {  	[tilespmem:s18], [sflag:$0x1] =	stream.indirect_vreg.gather [hbm4b:s13+s3], $0x80, v2, vm0, $0xb8;
	[tilespmem:$0x18880] =	vst v63  }
0x21a: {  	s31 =	simm.s32 $0x11480  }
0x21b: {  	[tilespmem:s31], [sflag:$0x1] =	stream.indirect_vreg.gather [hbm4b:s14+s3], $0x80, v2, vm0, $0xb8;
	[tilespmem:$0x18880] =	vst v63  }
0x21c: {  	s18 =	simm.s32 $0x11C80  }
0x21d: {  	[tilespmem:s18], [sflag:$0x1] =	stream.indirect_vreg.gather [hbm4b:s16+s3], $0x80, v2, vm0, $0xb8;
	[tilespmem:$0x18880] =	vst v63  }
0x21e: {  	s31 =	simm.s32 $0x12480  }
0x21f: {  	[tilespmem:s31], [sflag:$0x1] =	stream.indirect_vreg.gather [hbm4b:s4+s3], $0x80, v2, vm0, $0xb8;
	[tilespmem:$0x18880] =	vst v63  }
0x220: {  	s18 =	simm.s32 $0x12C80  }
0x221: {  	[tilespmem:s18], [sflag:$0x1] =	stream.indirect_vreg.gather [hbm4b:s26+s3], $0x80, v2, vm0, $0xb8;
	[tilespmem:$0x18880] =	vst v63  }
0x222: {  	s31 =	simm.s32 $0x13480  }
0x223: {  	[tilespmem:s31], [sflag:$0x1] =	stream.indirect_vreg.gather [hbm4b:s19+s3], $0x80, v2, vm0, $0xb8;
	[tilespmem:$0x18880] =	vst v63  }
0x224: {  	s18 =	simm.s32 $0x13C80  }
0x225: {  	[tilespmem:s18], [sflag:$0x1] =	stream.indirect_vreg.gather [hbm4b:s20+s3], $0x80, v2, vm0, $0xb8;
	[tilespmem:$0x18880] =	vst v63  }
0x226: {  	s31 =	simm.s32 $0x14480  }
0x227: {  	[tilespmem:s31], [sflag:$0x1] =	stream.indirect_vreg.gather [hbm4b:s21+s3], $0x80, v2, vm0, $0xb8;
	[tilespmem:$0x18880] =	vst v63  }
0x228: {  	s18 =	simm.s32 $0x14C80  }
0x229: {  	[tilespmem:s18], [sflag:$0x1] =	stream.indirect_vreg.gather [hbm4b:s22+s3], $0x80, v2, vm0, $0xb8;
	[tilespmem:$0x18880] =	vst v63  }
0x22a: {  	s31 =	simm.s32 $0x15480  }
0x22b: {  	[tilespmem:s31], [sflag:$0x1] =	stream.indirect_vreg.gather [hbm4b:s23+s3], $0x80, v2, vm0, $0xb8;
	[tilespmem:$0x18880] =	vst v63  }
0x22c: {  	s18 =	simm.s32 $0x15C80  }
0x22d: {  	[tilespmem:s18], [sflag:$0x1] =	stream.indirect_vreg.gather [hbm4b:s24+s3], $0x80, v2, vm0, $0xb8;
	[tilespmem:$0x18880] =	vst v63  }
0x22e: {  	s31 =	simm.s32 $0x16480  }
0x22f: {  	[tilespmem:s31], [sflag:$0x1] =	stream.indirect_vreg.gather [hbm4b:s25+s3], $0x80, v2, vm0, $0xb8;
	[tilespmem:$0x18880] =	vst v63  }
0x230: {  	s18 =	simm.s32 $0x16C80  }
0x231: {  	[tilespmem:s18], [sflag:$0x1] =	stream.indirect_vreg.gather [hbm4b:s28+s3], $0x80, v2, vm0, $0xb8;
	[tilespmem:$0x18880] =	vst v63  }
0x232: {  	s31 =	simm.s32 $0x17480  }
0x233: {  	[tilespmem:s31], [sflag:$0x1] =	stream.indirect_vreg.gather [hbm4b:s29+s3], $0x80, v2, vm0, $0xb8;
	[tilespmem:$0x18880] =	vst v63  }
0x234: {  	s18 =	simm.s32 $0x17C80  }
0x235: {  	[tilespmem:s18], [sflag:$0x1] =	stream.indirect_vreg.gather [hbm4b:s30+s3], $0x80, v2, vm0, $0xb8;
	[tilespmem:$0x18880] =	vst v63  }
0x236: {  	s31 =	simm.s32 $0x18480  }
0x237: {  	[tilespmem:s31], [sflag:$0x1] =	stream.indirect_vreg.gather [hbm4b:s7+s3], $0x80, v2, vm1, $0xb8;
	[tilespmem:$0x18880] =	vst v63  }
0x238: {  	s15 =	rddreg [dreg:$0x9];
	s18 =	simm.s32 $0x80;
	s31 =	simm.s32 $0x400  }
0x239: {  	[hbm4b:s15+s18] =	stream.strided.scatter [tilespmem:s18], [sflag:$0x2], $0xC400, s31, s18, $0x38;
	[tilespmem:$0x18880] =	vst v63  }
0x23a: {  	_ =	swait.ge [sflag:s8], $0xC400  }
0x23b: {  	[sflag:s8] =	ssyncset.done $0x0  }
0x23c: {  	[sflag:s8] =	ssyncadd.s32 $0xFFFF3C00  }
0x23d: {  	_ =	swait.ge [sflag:s1], $0xC400  }
0x23e: {  	[sflag:s1] =	ssyncset.done $0x0  }
0x23f: {  	[sflag:s1] =	ssyncadd.s32 $0xFFFF3C00  }
0x240: {  	v2 =	vld.msk [tilespmem:$0x40], $0x1;
	_ =	sdelay $0x4  }
0x241: {  	v3 =	vshrl.u32 v2, $0x3  }
0x242: {  	v3 =	vmul.u32 $0xC40, v3  }
0x243: {  	v2 =	vand.u32 $0x7, v2  }
0x244: {  	v2 =	vor.u32 v2, v3  }
0x245: {  	v2 =	vperm.xlane v2, v0;
	_ =	sdelay $0x1  }
0x246: {  	v2 =	vadd.s32 v1, v2;
	_ =	sdelay $0x4  }
0x247: {  	[tilespmem:s18], [sflag:$0x1] =	stream.indirect_vreg.gather [hbm4b:s17+s3], $0x80, v2, vm0, $0xb8;
	[tilespmem:$0x18880] =	vst v63  }
0x248: {  	s31 =	simm.s32 $0x880  }
0x249: {  	[tilespmem:s31], [sflag:$0x1] =	stream.indirect_vreg.gather [hbm4b:s5+s3], $0x80, v2, vm0, $0xb8;
	[tilespmem:$0x18880] =	vst v63  }
0x24a: {  	s18 =	simm.s32 $0x1080  }
0x24b: {  	[tilespmem:s18], [sflag:$0x1] =	stream.indirect_vreg.gather [hbm4b:s0+s3], $0x80, v2, vm0, $0xb8;
	[tilespmem:$0x18880] =	vst v63  }
0x24c: {  	s31 =	simm.s32 $0x1880  }
0x24d: {  	[tilespmem:s31], [sflag:$0x1] =	stream.indirect_vreg.gather [hbm4b:s2+s3], $0x80, v2, vm0, $0xb8;
	[tilespmem:$0x18880] =	vst v63  }
0x24e: {  	s5 =	smov.u32 s2;
	s2 =	simm.s32 $0x2080  }
0x24f: {  	[tilespmem:s2], [sflag:$0x1] =	stream.indirect_vreg.gather [hbm4b:s6+s3], $0x80, v2, vm0, $0xb8;
	[tilespmem:$0x18880] =	vst v63  }
0x250: {  	s18 =	simm.s32 $0x2880  }
0x251: {  	[tilespmem:s18], [sflag:$0x1] =	stream.indirect_vreg.gather [hbm4b:s9+s3], $0x80, v2, vm0, $0xb8;
	[tilespmem:$0x18880] =	vst v63  }
0x252: {  	s31 =	simm.s32 $0x3080  }
0x253: {  	[tilespmem:s31], [sflag:$0x1] =	stream.indirect_vreg.gather [hbm4b:s10+s3], $0x80, v2, vm0, $0xb8;
	[tilespmem:$0x18880] =	vst v63  }
0x254: {  	s2 =	simm.s32 $0x3880  }
0x255: {  	[tilespmem:s2], [sflag:$0x1] =	stream.indirect_vreg.gather [hbm4b:s11+s3], $0x80, v2, vm0, $0xb8;
	[tilespmem:$0x18880] =	vst v63  }
0x256: {  	s18 =	simm.s32 $0x4080  }
0x257: {  	[tilespmem:s18], [sflag:$0x1] =	stream.indirect_vreg.gather [hbm4b:s12+s3], $0x80, v2, vm0, $0xb8;
	[tilespmem:$0x18880] =	vst v63  }
0x258: {  	s31 =	simm.s32 $0x4880  }
0x259: {  	[tilespmem:s31], [sflag:$0x1] =	stream.indirect_vreg.gather [hbm4b:s13+s3], $0x80, v2, vm0, $0xb8;
	[tilespmem:$0x18880] =	vst v63  }
0x25a: {  	s2 =	simm.s32 $0x5080  }
0x25b: {  	[tilespmem:s2], [sflag:$0x1] =	stream.indirect_vreg.gather [hbm4b:s14+s3], $0x80, v2, vm0, $0xb8;
	[tilespmem:$0x18880] =	vst v63  }
0x25c: {  	s18 =	simm.s32 $0x5880  }
0x25d: {  	[tilespmem:s18], [sflag:$0x1] =	stream.indirect_vreg.gather [hbm4b:s16+s3], $0x80, v2, vm0, $0xb8;
	[tilespmem:$0x18880] =	vst v63  }
0x25e: {  	s31 =	simm.s32 $0x6080  }
0x25f: {  	[tilespmem:s31], [sflag:$0x1] =	stream.indirect_vreg.gather [hbm4b:s4+s3], $0x80, v2, vm0, $0xb8;
	[tilespmem:$0x18880] =	vst v63  }
0x260: {  	s2 =	simm.s32 $0x6880  }
0x261: {  	[tilespmem:s2], [sflag:$0x1] =	stream.indirect_vreg.gather [hbm4b:s26+s3], $0x80, v2, vm0, $0xb8;
	[tilespmem:$0x18880] =	vst v63  }
0x262: {  	s4 =	simm.s32 $0x7080  }
0x263: {  	[tilespmem:s4], [sflag:$0x1] =	stream.indirect_vreg.gather [hbm4b:s19+s3], $0x80, v2, vm0, $0xb8;
	[tilespmem:$0x18880] =	vst v63  }
0x264: {  	s18 =	simm.s32 $0x7880  }
0x265: {  	[tilespmem:s18], [sflag:$0x1] =	stream.indirect_vreg.gather [hbm4b:s20+s3], $0x80, v2, vm0, $0xb8;
	[tilespmem:$0x18880] =	vst v63  }
0x266: {  	s31 =	simm.s32 $0x8080  }
0x267: {  	[tilespmem:s31], [sflag:$0x1] =	stream.indirect_vreg.gather [hbm4b:s21+s3], $0x80, v2, vm0, $0xb8;
	[tilespmem:$0x18880] =	vst v63  }
0x268: {  	s2 =	simm.s32 $0x8880  }
0x269: {  	[tilespmem:s2], [sflag:$0x1] =	stream.indirect_vreg.gather [hbm4b:s22+s3], $0x80, v2, vm0, $0xb8;
	[tilespmem:$0x18880] =	vst v63  }
0x26a: {  	s4 =	simm.s32 $0x9080  }
0x26b: {  	[tilespmem:s4], [sflag:$0x1] =	stream.indirect_vreg.gather [hbm4b:s23+s3], $0x80, v2, vm0, $0xb8;
	[tilespmem:$0x18880] =	vst v63  }
0x26c: {  	s18 =	simm.s32 $0x9880  }
0x26d: {  	[tilespmem:s18], [sflag:$0x1] =	stream.indirect_vreg.gather [hbm4b:s24+s3], $0x80, v2, vm0, $0xb8;
	[tilespmem:$0x18880] =	vst v63  }
0x26e: {  	s31 =	simm.s32 $0xA080  }
0x26f: {  	[tilespmem:s31], [sflag:$0x1] =	stream.indirect_vreg.gather [hbm4b:s25+s3], $0x80, v2, vm0, $0xb8;
	[tilespmem:$0x18880] =	vst v63  }
0x270: {  	s2 =	simm.s32 $0xA880  }
0x271: {  	[tilespmem:s2], [sflag:$0x1] =	stream.indirect_vreg.gather [hbm4b:s28+s3], $0x80, v2, vm0, $0xb8;
	[tilespmem:$0x18880] =	vst v63  }
0x272: {  	s4 =	simm.s32 $0xB080  }
0x273: {  	[tilespmem:s4], [sflag:$0x1] =	stream.indirect_vreg.gather [hbm4b:s29+s3], $0x80, v2, vm0, $0xb8;
	[tilespmem:$0x18880] =	vst v63  }
0x274: {  	s18 =	simm.s32 $0xB880  }
0x275: {  	[tilespmem:s18], [sflag:$0x1] =	stream.indirect_vreg.gather [hbm4b:s30+s3], $0x80, v2, vm0, $0xb8;
	[tilespmem:$0x18880] =	vst v63  }
0x276: {  	s15 =	rddreg [dreg:$0xa];
	s31 =	simm.s32 $0xC080  }
0x277: {  	[tilespmem:s31], [sflag:$0x1] =	stream.indirect_vreg.gather [hbm4b:s7+s3], $0x80, v2, vm1, $0xb8;
	[tilespmem:$0x18880] =	vst v63  }
0x278: {  	s2 =	simm.s32 $0x80;
	s4 =	simm.s32 $0x400;
	s18 =	simm.s32 $0xC480  }
0x279: {  	[hbm4b:s15+s2] =	stream.strided.scatter [tilespmem:s18], [sflag:$0x2], $0xC400, s4, s2, $0x38;
	[tilespmem:$0x18880] =	vst v63  }
0x27a: {  	_ =	swait.ge [sflag:s8], $0xC400  }
0x27b: {  	[sflag:s8] =	ssyncset.done $0x0  }
0x27c: {  	[sflag:s8] =	ssyncadd.s32 $0xFFFF3C00  }
0x27d: {  	_ =	swait.ge [sflag:s1], $0xC400  }
0x27e: {  	[sflag:s1] =	ssyncset.done $0x0  }
0x27f: {  	[sflag:s1] =	ssyncadd.s32 $0xFFFF3C00  }
0x280: {  	v2 =	vld.msk [tilespmem:$0x48], $0x1;
	_ =	sdelay $0x4  }
0x281: {  	v3 =	vshrl.u32 v2, $0x3  }
0x282: {  	v3 =	vmul.u32 $0xC40, v3  }
0x283: {  	v2 =	vand.u32 $0x7, v2  }
0x284: {  	v2 =	vor.u32 v2, v3  }
0x285: {  	v2 =	vperm.xlane v2, v0;
	_ =	sdelay $0x1  }
0x286: {  	v2 =	vadd.s32 v1, v2;
	_ =	sdelay $0x4  }
0x287: {  	[tilespmem:s18], [sflag:$0x1] =	stream.indirect_vreg.gather [hbm4b:s17+s3], $0x80, v2, vm0, $0xb8;
	[tilespmem:$0x18880] =	vst v63  }
0x288: {  	s4 =	rddreg [dreg:$0x11];
	s17 =	simm.s32 $0xCC80  }
0x289: {  	[tilespmem:s17], [sflag:$0x1] =	stream.indirect_vreg.gather [hbm4b:s4+s3], $0x80, v2, vm0, $0xb8;
	[tilespmem:$0x18880] =	vst v63  }
0x28a: {  	s18 =	simm.s32 $0xD480  }
0x28b: {  	[tilespmem:s18], [sflag:$0x1] =	stream.indirect_vreg.gather [hbm4b:s0+s3], $0x80, v2, vm0, $0xb8;
	[tilespmem:$0x18880] =	vst v63  }
0x28c: {  	s31 =	simm.s32 $0xDC80  }
0x28d: {  	[tilespmem:s31], [sflag:$0x1] =	stream.indirect_vreg.gather [hbm4b:s5+s3], $0x80, v2, vm0, $0xb8;
	[tilespmem:$0x18880] =	vst v63  }
0x28e: {  	s2 =	smov.u32 s0;
	s0 =	simm.s32 $0xE480  }
0x28f: {  	[tilespmem:s0], [sflag:$0x1] =	stream.indirect_vreg.gather [hbm4b:s6+s3], $0x80, v2, vm0, $0xb8;
	[tilespmem:$0x18880] =	vst v63  }
0x290: {  	s6 =	simm.s32 $0xEC80  }
0x291: {  	[tilespmem:s6], [sflag:$0x1] =	stream.indirect_vreg.gather [hbm4b:s9+s3], $0x80, v2, vm0, $0xb8;
	[tilespmem:$0x18880] =	vst v63  }
0x292: {  	s17 =	simm.s32 $0xF480  }
0x293: {  	[tilespmem:s17], [sflag:$0x1] =	stream.indirect_vreg.gather [hbm4b:s10+s3], $0x80, v2, vm0, $0xb8;
	[tilespmem:$0x18880] =	vst v63  }
0x294: {  	s18 =	simm.s32 $0xFC80  }
0x295: {  	[tilespmem:s18], [sflag:$0x1] =	stream.indirect_vreg.gather [hbm4b:s11+s3], $0x80, v2, vm0, $0xb8;
	[tilespmem:$0x18880] =	vst v63  }
0x296: {  	s31 =	simm.s32 $0x10480  }
0x297: {  	[tilespmem:s31], [sflag:$0x1] =	stream.indirect_vreg.gather [hbm4b:s12+s3], $0x80, v2, vm0, $0xb8;
	[tilespmem:$0x18880] =	vst v63  }
0x298: {  	s0 =	simm.s32 $0x10C80  }
0x299: {  	[tilespmem:s0], [sflag:$0x1] =	stream.indirect_vreg.gather [hbm4b:s13+s3], $0x80, v2, vm0, $0xb8;
	[tilespmem:$0x18880] =	vst v63  }
0x29a: {  	s6 =	simm.s32 $0x11480  }
0x29b: {  	[tilespmem:s6], [sflag:$0x1] =	stream.indirect_vreg.gather [hbm4b:s14+s3], $0x80, v2, vm0, $0xb8;
	[tilespmem:$0x18880] =	vst v63  }
0x29c: {  	s17 =	simm.s32 $0x11C80  }
0x29d: {  	[tilespmem:s17], [sflag:$0x1] =	stream.indirect_vreg.gather [hbm4b:s16+s3], $0x80, v2, vm0, $0xb8;
	[tilespmem:$0x18880] =	vst v63  }
0x29e: {  	s18 =	simm.s32 $0x12480;
	s6 =	rddreg [dreg:$0x1c]  }
0x29f: {  	[tilespmem:s18], [sflag:$0x1] =	stream.indirect_vreg.gather [hbm4b:s6+s3], $0x80, v2, vm0, $0xb8;
	[tilespmem:$0x18880] =	vst v63  }
0x2a0: {  	s31 =	simm.s32 $0x12C80  }
0x2a1: {  	[tilespmem:s31], [sflag:$0x1] =	stream.indirect_vreg.gather [hbm4b:s26+s3], $0x80, v2, vm0, $0xb8;
	[tilespmem:$0x18880] =	vst v63  }
0x2a2: {  	s0 =	simm.s32 $0x13480  }
0x2a3: {  	[tilespmem:s0], [sflag:$0x1] =	stream.indirect_vreg.gather [hbm4b:s19+s3], $0x80, v2, vm0, $0xb8;
	[tilespmem:$0x18880] =	vst v63  }
0x2a4: {  	s17 =	simm.s32 $0x13C80  }
0x2a5: {  	[tilespmem:s17], [sflag:$0x1] =	stream.indirect_vreg.gather [hbm4b:s20+s3], $0x80, v2, vm0, $0xb8;
	[tilespmem:$0x18880] =	vst v63  }
0x2a6: {  	s18 =	simm.s32 $0x14480  }
0x2a7: {  	[tilespmem:s18], [sflag:$0x1] =	stream.indirect_vreg.gather [hbm4b:s21+s3], $0x80, v2, vm0, $0xb8;
	[tilespmem:$0x18880] =	vst v63  }
0x2a8: {  	s31 =	simm.s32 $0x14C80  }
0x2a9: {  	[tilespmem:s31], [sflag:$0x1] =	stream.indirect_vreg.gather [hbm4b:s22+s3], $0x80, v2, vm0, $0xb8;
	[tilespmem:$0x18880] =	vst v63  }
0x2aa: {  	s0 =	simm.s32 $0x15480  }
0x2ab: {  	[tilespmem:s0], [sflag:$0x1] =	stream.indirect_vreg.gather [hbm4b:s23+s3], $0x80, v2, vm0, $0xb8;
	[tilespmem:$0x18880] =	vst v63  }
0x2ac: {  	s17 =	simm.s32 $0x15C80  }
0x2ad: {  	[tilespmem:s17], [sflag:$0x1] =	stream.indirect_vreg.gather [hbm4b:s24+s3], $0x80, v2, vm0, $0xb8;
	[tilespmem:$0x18880] =	vst v63  }
0x2ae: {  	s18 =	simm.s32 $0x16480  }
0x2af: {  	[tilespmem:s18], [sflag:$0x1] =	stream.indirect_vreg.gather [hbm4b:s25+s3], $0x80, v2, vm0, $0xb8;
	[tilespmem:$0x18880] =	vst v63  }
0x2b0: {  	s31 =	simm.s32 $0x16C80  }
0x2b1: {  	[tilespmem:s31], [sflag:$0x1] =	stream.indirect_vreg.gather [hbm4b:s28+s3], $0x80, v2, vm0, $0xb8;
	[tilespmem:$0x18880] =	vst v63  }
0x2b2: {  	s0 =	simm.s32 $0x17480  }
0x2b3: {  	[tilespmem:s0], [sflag:$0x1] =	stream.indirect_vreg.gather [hbm4b:s29+s3], $0x80, v2, vm0, $0xb8;
	[tilespmem:$0x18880] =	vst v63  }
0x2b4: {  	s18 =	simm.s32 $0x17C80  }
0x2b5: {  	[tilespmem:s18], [sflag:$0x1] =	stream.indirect_vreg.gather [hbm4b:s30+s3], $0x80, v2, vm0, $0xb8;
	[tilespmem:$0x18880] =	vst v63  }
0x2b6: {  	s15 =	rddreg [dreg:$0xb];
	s17 =	smov.u32 s29;
	s29 =	simm.s32 $0x18480  }
0x2b7: {  	[tilespmem:s29], [sflag:$0x1] =	stream.indirect_vreg.gather [hbm4b:s7+s3], $0x80, v2, vm1, $0xb8;
	[tilespmem:$0x18880] =	vst v63  }
0x2b8: {  	s0 =	smov.u32 s7;
	s18 =	simm.s32 $0x400;
	s7 =	simm.s32 $0x80  }
0x2b9: {  	[hbm4b:s15+s7] =	stream.strided.scatter [tilespmem:s7], [sflag:$0x2], $0xC400, s18, s7, $0x38;
	[tilespmem:$0x18880] =	vst v63  }
0x2ba: {  	_ =	swait.ge [sflag:s8], $0xC400  }
0x2bb: {  	[sflag:s8] =	ssyncset.done $0x0  }
0x2bc: {  	[sflag:s8] =	ssyncadd.s32 $0xFFFF3C00  }
0x2bd: {  	_ =	swait.ge [sflag:s1], $0xC400  }
0x2be: {  	[sflag:s1] =	ssyncset.done $0x0  }
0x2bf: {  	[sflag:s1] =	ssyncadd.s32 $0xFFFF3C00  }
0x2c0: {  	v2 =	vld.msk [tilespmem:$0x50], $0x1;
	_ =	sdelay $0x4  }
0x2c1: {  	v3 =	vshrl.u32 v2, $0x3  }
0x2c2: {  	v3 =	vmul.u32 $0xC40, v3  }
0x2c3: {  	v2 =	vand.u32 $0x7, v2  }
0x2c4: {  	v2 =	vor.u32 v2, v3  }
0x2c5: {  	v2 =	vperm.xlane v2, v0;
	_ =	sdelay $0x1  }
0x2c6: {  	v2 =	vadd.s32 v1, v2;
	_ =	sdelay $0x3  }
0x2c7: {  	s31 =	rddreg [dreg:$0x0]  }
0x2c8: {  	[tilespmem:s7], [sflag:$0x1] =	stream.indirect_vreg.gather [hbm4b:s31+s3], $0x80, v2, vm0, $0xb8;
	[tilespmem:$0x18880] =	vst v63  }
0x2c9: {  	s29 =	simm.s32 $0x880  }
0x2ca: {  	[tilespmem:s29], [sflag:$0x1] =	stream.indirect_vreg.gather [hbm4b:s4+s3], $0x80, v2, vm0, $0xb8;
	[tilespmem:$0x18880] =	vst v63  }
0x2cb: {  	s7 =	simm.s32 $0x1080  }
0x2cc: {  	[tilespmem:s7], [sflag:$0x1] =	stream.indirect_vreg.gather [hbm4b:s2+s3], $0x80, v2, vm0, $0xb8;
	[tilespmem:$0x18880] =	vst v63  }
0x2cd: {  	s29 =	simm.s32 $0x1880  }
0x2ce: {  	[tilespmem:s29], [sflag:$0x1] =	stream.indirect_vreg.gather [hbm4b:s5+s3], $0x80, v2, vm0, $0xb8;
	[tilespmem:$0x18880] =	vst v63  }
0x2cf: {  	s7 =	smov.u32 s5;
	s5 =	simm.s32 $0x2080;
	s29 =	rddreg [dreg:$0x14]  }
0x2d0: {  	[tilespmem:s5], [sflag:$0x1] =	stream.indirect_vreg.gather [hbm4b:s29+s3], $0x80, v2, vm0, $0xb8;
	[tilespmem:$0x18880] =	vst v63  }
0x2d1: {  	s5 =	simm.s32 $0x2880  }
0x2d2: {  	[tilespmem:s5], [sflag:$0x1] =	stream.indirect_vreg.gather [hbm4b:s9+s3], $0x80, v2, vm0, $0xb8;
	[tilespmem:$0x18880] =	vst v63  }
0x2d3: {  	s5 =	simm.s32 $0x3080  }
0x2d4: {  	[tilespmem:s5], [sflag:$0x1] =	stream.indirect_vreg.gather [hbm4b:s10+s3], $0x80, v2, vm0, $0xb8;
	[tilespmem:$0x18880] =	vst v63  }
0x2d5: {  	s5 =	simm.s32 $0x3880  }
0x2d6: {  	[tilespmem:s5], [sflag:$0x1] =	stream.indirect_vreg.gather [hbm4b:s11+s3], $0x80, v2, vm0, $0xb8;
	[tilespmem:$0x18880] =	vst v63  }
0x2d7: {  	s5 =	simm.s32 $0x4080  }
0x2d8: {  	[tilespmem:s5], [sflag:$0x1] =	stream.indirect_vreg.gather [hbm4b:s12+s3], $0x80, v2, vm0, $0xb8;
	[tilespmem:$0x18880] =	vst v63  }
0x2d9: {  	s5 =	simm.s32 $0x4880  }
0x2da: {  	[tilespmem:s5], [sflag:$0x1] =	stream.indirect_vreg.gather [hbm4b:s13+s3], $0x80, v2, vm0, $0xb8;
	[tilespmem:$0x18880] =	vst v63  }
0x2db: {  	s5 =	simm.s32 $0x5080  }
0x2dc: {  	[tilespmem:s5], [sflag:$0x1] =	stream.indirect_vreg.gather [hbm4b:s14+s3], $0x80, v2, vm0, $0xb8;
	[tilespmem:$0x18880] =	vst v63  }
0x2dd: {  	s5 =	simm.s32 $0x5880  }
0x2de: {  	[tilespmem:s5], [sflag:$0x1] =	stream.indirect_vreg.gather [hbm4b:s16+s3], $0x80, v2, vm0, $0xb8;
	[tilespmem:$0x18880] =	vst v63  }
0x2df: {  	s5 =	simm.s32 $0x6080  }
0x2e0: {  	[tilespmem:s5], [sflag:$0x1] =	stream.indirect_vreg.gather [hbm4b:s6+s3], $0x80, v2, vm0, $0xb8;
	[tilespmem:$0x18880] =	vst v63  }
0x2e1: {  	s6 =	simm.s32 $0x6880  }
0x2e2: {  	[tilespmem:s6], [sflag:$0x1] =	stream.indirect_vreg.gather [hbm4b:s26+s3], $0x80, v2, vm0, $0xb8;
	[tilespmem:$0x18880] =	vst v63  }
0x2e3: {  	s5 =	simm.s32 $0x7080  }
0x2e4: {  	[tilespmem:s5], [sflag:$0x1] =	stream.indirect_vreg.gather [hbm4b:s19+s3], $0x80, v2, vm0, $0xb8;
	[tilespmem:$0x18880] =	vst v63  }
0x2e5: {  	s6 =	smov.u32 s26;
	s26 =	simm.s32 $0x7880  }
0x2e6: {  	[tilespmem:s26], [sflag:$0x1] =	stream.indirect_vreg.gather [hbm4b:s20+s3], $0x80, v2, vm0, $0xb8;
	[tilespmem:$0x18880] =	vst v63  }
0x2e7: {  	s5 =	simm.s32 $0x8080  }
0x2e8: {  	[tilespmem:s5], [sflag:$0x1] =	stream.indirect_vreg.gather [hbm4b:s21+s3], $0x80, v2, vm0, $0xb8;
	[tilespmem:$0x18880] =	vst v63  }
0x2e9: {  	s26 =	simm.s32 $0x8880  }
0x2ea: {  	[tilespmem:s26], [sflag:$0x1] =	stream.indirect_vreg.gather [hbm4b:s22+s3], $0x80, v2, vm0, $0xb8;
	[tilespmem:$0x18880] =	vst v63  }
0x2eb: {  	s5 =	simm.s32 $0x9080  }
0x2ec: {  	[tilespmem:s5], [sflag:$0x1] =	stream.indirect_vreg.gather [hbm4b:s23+s3], $0x80, v2, vm0, $0xb8;
	[tilespmem:$0x18880] =	vst v63  }
0x2ed: {  	s26 =	simm.s32 $0x9880  }
0x2ee: {  	[tilespmem:s26], [sflag:$0x1] =	stream.indirect_vreg.gather [hbm4b:s24+s3], $0x80, v2, vm0, $0xb8;
	[tilespmem:$0x18880] =	vst v63  }
0x2ef: {  	s5 =	simm.s32 $0xA080  }
0x2f0: {  	[tilespmem:s5], [sflag:$0x1] =	stream.indirect_vreg.gather [hbm4b:s25+s3], $0x80, v2, vm0, $0xb8;
	[tilespmem:$0x18880] =	vst v63  }
0x2f1: {  	s26 =	simm.s32 $0xA880  }
0x2f2: {  	[tilespmem:s26], [sflag:$0x1] =	stream.indirect_vreg.gather [hbm4b:s28+s3], $0x80, v2, vm0, $0xb8;
	[tilespmem:$0x18880] =	vst v63  }
0x2f3: {  	s5 =	simm.s32 $0xB080  }
0x2f4: {  	[tilespmem:s5], [sflag:$0x1] =	stream.indirect_vreg.gather [hbm4b:s17+s3], $0x80, v2, vm0, $0xb8;
	[tilespmem:$0x18880] =	vst v63  }
0x2f5: {  	s26 =	simm.s32 $0xB880  }
0x2f6: {  	[tilespmem:s26], [sflag:$0x1] =	stream.indirect_vreg.gather [hbm4b:s30+s3], $0x80, v2, vm0, $0xb8;
	[tilespmem:$0x18880] =	vst v63  }
0x2f7: {  	s5 =	simm.s32 $0xC080  }
0x2f8: {  	[tilespmem:s5], [sflag:$0x1] =	stream.indirect_vreg.gather [hbm4b:s0+s3], $0x80, v2, vm1, $0xb8;
	[tilespmem:$0x18880] =	vst v63  }
0x2f9: {  	s15 =	rddreg [dreg:$0xc];
	s26 =	simm.s32 $0xC480;
	s5 =	simm.s32 $0x80  }
0x2fa: {  	[hbm4b:s15+s5] =	stream.strided.scatter [tilespmem:s26], [sflag:$0x2], $0xC400, s18, s5, $0x38;
	[tilespmem:$0x18880] =	vst v63  }
0x2fb: {  	_ =	swait.ge [sflag:s8], $0xC400  }
0x2fc: {  	[sflag:s8] =	ssyncset.done $0x0  }
0x2fd: {  	[sflag:s8] =	ssyncadd.s32 $0xFFFF3C00  }
0x2fe: {  	_ =	swait.ge [sflag:s1], $0xC400  }
0x2ff: {  	[sflag:s1] =	ssyncset.done $0x0  }
0x300: {  	[sflag:s1] =	ssyncadd.s32 $0xFFFF3C00  }
0x301: {  	v2 =	vld.msk [tilespmem:$0x58], $0x1;
	_ =	sdelay $0x4  }
0x302: {  	v3 =	vshrl.u32 v2, $0x3  }
0x303: {  	v3 =	vmul.u32 $0xC40, v3  }
0x304: {  	v2 =	vand.u32 $0x7, v2  }
0x305: {  	v2 =	vor.u32 v2, v3  }
0x306: {  	v2 =	vperm.xlane v2, v0;
	_ =	sdelay $0x1  }
0x307: {  	v2 =	vadd.s32 v1, v2;
	_ =	sdelay $0x4  }
0x308: {  	[tilespmem:s26], [sflag:$0x1] =	stream.indirect_vreg.gather [hbm4b:s31+s3], $0x80, v2, vm0, $0xb8;
	[tilespmem:$0x18880] =	vst v63  }
0x309: {  	s18 =	simm.s32 $0xCC80  }
0x30a: {  	[tilespmem:s18], [sflag:$0x1] =	stream.indirect_vreg.gather [hbm4b:s4+s3], $0x80, v2, vm0, $0xb8;
	[tilespmem:$0x18880] =	vst v63  }
0x30b: {  	s31 =	simm.s32 $0xD480  }
0x30c: {  	[tilespmem:s31], [sflag:$0x1] =	stream.indirect_vreg.gather [hbm4b:s2+s3], $0x80, v2, vm0, $0xb8;
	[tilespmem:$0x18880] =	vst v63  }
0x30d: {  	s4 =	simm.s32 $0xDC80  }
0x30e: {  	[tilespmem:s4], [sflag:$0x1] =	stream.indirect_vreg.gather [hbm4b:s7+s3], $0x80, v2, vm0, $0xb8;
	[tilespmem:$0x18880] =	vst v63  }
0x30f: {  	s15 =	simm.s32 $0xE480  }
0x310: {  	[tilespmem:s15], [sflag:$0x1] =	stream.indirect_vreg.gather [hbm4b:s29+s3], $0x80, v2, vm0, $0xb8;
	[tilespmem:$0x18880] =	vst v63  }
0x311: {  	s18 =	simm.s32 $0xEC80  }
0x312: {  	[tilespmem:s18], [sflag:$0x1] =	stream.indirect_vreg.gather [hbm4b:s9+s3], $0x80, v2, vm0, $0xb8;
	[tilespmem:$0x18880] =	vst v63  }
0x313: {  	s29 =	simm.s32 $0xF480  }
0x314: {  	[tilespmem:s29], [sflag:$0x1] =	stream.indirect_vreg.gather [hbm4b:s10+s3], $0x80, v2, vm0, $0xb8;
	[tilespmem:$0x18880] =	vst v63  }
0x315: {  	s31 =	simm.s32 $0xFC80  }
0x316: {  	[tilespmem:s31], [sflag:$0x1] =	stream.indirect_vreg.gather [hbm4b:s11+s3], $0x80, v2, vm0, $0xb8;
	[tilespmem:$0x18880] =	vst v63  }
0x317: {  	s2 =	simm.s32 $0x10480  }
0x318: {  	[tilespmem:s2], [sflag:$0x1] =	stream.indirect_vreg.gather [hbm4b:s12+s3], $0x80, v2, vm0, $0xb8;
	[tilespmem:$0x18880] =	vst v63  }
0x319: {  	s4 =	simm.s32 $0x10C80  }
0x31a: {  	[tilespmem:s4], [sflag:$0x1] =	stream.indirect_vreg.gather [hbm4b:s13+s3], $0x80, v2, vm0, $0xb8;
	[tilespmem:$0x18880] =	vst v63  }
0x31b: {  	s7 =	simm.s32 $0x11480  }
0x31c: {  	[tilespmem:s7], [sflag:$0x1] =	stream.indirect_vreg.gather [hbm4b:s14+s3], $0x80, v2, vm0, $0xb8;
	[tilespmem:$0x18880] =	vst v63  }
0x31d: {  	s9 =	simm.s32 $0x11C80  }
0x31e: {  	[tilespmem:s9], [sflag:$0x1] =	stream.indirect_vreg.gather [hbm4b:s16+s3], $0x80, v2, vm0, $0xb8;
	[tilespmem:$0x18880] =	vst v63  }
0x31f: {  	s10 =	simm.s32 $0x12480;
	s11 =	rddreg [dreg:$0x1c]  }
0x320: {  	[tilespmem:s10], [sflag:$0x1] =	stream.indirect_vreg.gather [hbm4b:s11+s3], $0x80, v2, vm0, $0xb8;
	[tilespmem:$0x18880] =	vst v63  }
0x321: {  	s12 =	simm.s32 $0x12C80  }
0x322: {  	[tilespmem:s12], [sflag:$0x1] =	stream.indirect_vreg.gather [hbm4b:s6+s3], $0x80, v2, vm0, $0xb8;
	[tilespmem:$0x18880] =	vst v63  }
0x323: {  	s13 =	simm.s32 $0x13480  }
0x324: {  	[tilespmem:s13], [sflag:$0x1] =	stream.indirect_vreg.gather [hbm4b:s19+s3], $0x80, v2, vm0, $0xb8;
	[tilespmem:$0x18880] =	vst v63  }
0x325: {  	s14 =	simm.s32 $0x13C80  }
0x326: {  	[tilespmem:s14], [sflag:$0x1] =	stream.indirect_vreg.gather [hbm4b:s20+s3], $0x80, v2, vm0, $0xb8;
	[tilespmem:$0x18880] =	vst v63  }
0x327: {  	s15 =	simm.s32 $0x14480  }
0x328: {  	[tilespmem:s15], [sflag:$0x1] =	stream.indirect_vreg.gather [hbm4b:s21+s3], $0x80, v2, vm0, $0xb8;
	[tilespmem:$0x18880] =	vst v63  }
0x329: {  	s16 =	simm.s32 $0x14C80  }
0x32a: {  	[tilespmem:s16], [sflag:$0x1] =	stream.indirect_vreg.gather [hbm4b:s22+s3], $0x80, v2, vm0, $0xb8;
	[tilespmem:$0x18880] =	vst v63  }
0x32b: {  	s18 =	simm.s32 $0x15480  }
0x32c: {  	[tilespmem:s18], [sflag:$0x1] =	stream.indirect_vreg.gather [hbm4b:s23+s3], $0x80, v2, vm0, $0xb8;
	[tilespmem:$0x18880] =	vst v63  }
0x32d: {  	s19 =	simm.s32 $0x15C80  }
0x32e: {  	[tilespmem:s19], [sflag:$0x1] =	stream.indirect_vreg.gather [hbm4b:s24+s3], $0x80, v2, vm0, $0xb8;
	[tilespmem:$0x18880] =	vst v63  }
0x32f: {  	s20 =	simm.s32 $0x16480  }
0x330: {  	[tilespmem:s20], [sflag:$0x1] =	stream.indirect_vreg.gather [hbm4b:s25+s3], $0x80, v2, vm0, $0xb8;
	[tilespmem:$0x18880] =	vst v63  }
0x331: {  	s21 =	simm.s32 $0x16C80  }
0x332: {  	[tilespmem:s21], [sflag:$0x1] =	stream.indirect_vreg.gather [hbm4b:s28+s3], $0x80, v2, vm0, $0xb8;
	[tilespmem:$0x18880] =	vst v63  }
0x333: {  	s22 =	simm.s32 $0x17480  }
0x334: {  	[tilespmem:s22], [sflag:$0x1] =	stream.indirect_vreg.gather [hbm4b:s17+s3], $0x80, v2, vm0, $0xb8;
	[tilespmem:$0x18880] =	vst v63  }
0x335: {  	s23 =	simm.s32 $0x17C80  }
0x336: {  	[tilespmem:s23], [sflag:$0x1] =	stream.indirect_vreg.gather [hbm4b:s30+s3], $0x80, v2, vm0, $0xb8;
	[tilespmem:$0x18880] =	vst v63  }
0x337: {  	s25 =	simm.s32 $0x18480  }
0x338: {  	[tilespmem:s25], [sflag:$0x1] =	stream.indirect_vreg.gather [hbm4b:s0+s3], $0x80, v2, vm1, $0xb8;
	[tilespmem:$0x18880] =	vst v63  }
0x339: {  	s29 =	simm.s32 $0x400;
	s24 =	rddreg [dreg:$0xd];
	s28 =	simm.s32 $0x80  }
0x33a: {  	[hbm4b:s24+s28] =	stream.strided.scatter [tilespmem:s28], [sflag:$0x2], $0xC400, s29, s28, $0x38;
	[tilespmem:$0x18880] =	vst v63  }
0x33b: {  	_ =	swait.ge [sflag:s8], $0xC400  }
0x33c: {  	[sflag:s8] =	ssyncset.done $0x0  }
0x33d: {  	[sflag:s8] =	ssyncadd.s32 $0xFFFF3C00  }
0x33e: {  	_ =	swait.ge [sflag:s1], $0xC400  }
0x33f: {  	s31 =	rddreg [dreg:$0x10]  }
0x340: {  	s26 =	simm.s32 $0xC480;
	[sflag:s1] =	ssyncset.done $0x0;
	p0 =	sne.s32 s31, $0x1  }
.Ltmp0:
0x341: {  	s30 =	rddreg [dreg:$0xe];
	[sflag:s1] =	ssyncadd.s32 $0xFFFF3C00;
	(pc) =	sbr.rel @p0 .LBB2_1-.Ltmp0, $4  }
0x342: {  	[hbm4b:s30+s28] =	stream.strided.scatter [tilespmem:s26], [sflag:$0x2], $0xC400, s29, s28, $0x38;
	[tilespmem:$0x18880] =	vst v63  }
0x343: {  	_ =	swait.ge [sflag:s1], $0xC400  }
0x344: {  	[sflag:s1] =	ssyncset.done $0x0  }
0x345: {  	s15 =	sadd.s32 $0xFFFFFFFF, s31;
	[sflag:s1] =	ssyncadd.s32 $0xFFFF3C00  }
0x346: {  	_ =	sfence.sel $0x180000  }
0x347: {  	[bflag:$0x0] =	sbarrier.arrive $0xFFFF  }
0x348: {  	_ =	strace $0x90000047  }
0x349: {  	s0 =	stileid.u32;
	[bflag:$0x2] =	sbarrier.arrive $0xFFFF  }
0x34a: {  	p0 =	sne.s32 s0, $0x0;
	s0 =	rddreg [dreg:$0x2]  }
0x34b: {  	s0 =	sadd.s32 @!p0 $0x100000, s0  }
0x34c: {  	[sflag:s0] =	ssyncadd.tile.s32 @!p0 $0x1;
	_ =	shalt  }
.Lfunc_end2:
_tile_overlayer_lowered:
.L_overlay_start_2:
0x34d: {  	(tag) =	ssettag $0x2  }
0x34e: {  	s0 =	rddreg [dreg:$0x0];
	s2 =	stileid.u32  }
0x34f: {  	s1 =	rddreg [dreg:$0x1];
	p0 =	sne.s32 s2, $0x0  }
0x350: {  	s3 =	rddreg [dreg:$0x2];
	[bflag:$0x3] =	sbarrier.arrive $0xFFFF;
	s2 =	simm.s32 @!p0 $0x1C03  }
0x351: {  	[timem:s3], [sflag:s2] =	dma.local @!p0 [hbm:s0], s1  }
0x352: {  	s0 =	simm.s32 @!p0 $0x3  }
0x353: {  	_ =	swait.ge @!p0 [sflag:s0], s1  }
0x354: {  	s1 =	ssub.s32 @!p0 $0x0, s1;
	[sflag:s0] =	ssyncset.done @!p0 $0x0  }
0x355: {  	[sflag:s0] =	ssyncadd.s32 @!p0 s1  }
0x356: {  	[bflag:$0x3] =	sbarrier.arrive $0xFFFF  }
0x357: {  	_ =	shalt  }

</sc_bundles>
